<compile_context>
chip_gen: v7x
topology: tpu7x:2x2x1
jax: 0.10.2.dev20260603
libtpu: 0.0.44.dev20260713+nightly
codegen_flags: <defaults>
</compile_context>

<pallas_src>
import jax
import jax.numpy as jnp
from jax import lax
from jax.experimental import pallas as pl
from jax.experimental.pallas import tpu as pltpu
from jax.experimental.pallas import tpu_sc as plsc

_PHASES = (128, 96, 64, 112, 80, 48, 128, 72, 96, 64, 32, 120, 88, 56, 104, 40)
_NP = len(_PHASES)
_N = 10000
_E = 320000
_D = 128
_NC, _NS, _L = 2, 16, 16
_NW = _NC * _NS
_EPT = _E // _NS
_G = _EPT // _L
_MPW = _EPT + 2 * _L


def _newton_rsqrt(x):
    xi = plsc.bitcast(x, jnp.int32)
    y = plsc.bitcast(0x5F3759DF - (xi >> 1), jnp.float32)
    for _ in range(3):
        y = y * (1.5 - 0.5 * x * y * y)
    return y


def _sc_body(ef_hbm, x_hbm, hist_hbm, deg16_hbm, acc_hbm,
             dst_v, hist_v, mpos_v, d16_v, posd_v, svec_v, dvec_v, idx_v,
             gath_v, rows_v, acc_v, sem):
    c = lax.axis_index("c")
    s = lax.axis_index("s")
    slot = c * _NS + s
    base = s * _EPT
    dcp = pltpu.async_copy(ef_hbm.at[pl.ds(_E + base, _EPT)], dst_v, sem)

    @plsc.parallel_loop(0, _N // _L, unroll=8)
    def zero_h(i):
        hist_v[pl.ds(i * _L, _L)] = jnp.zeros((_L,), jnp.float32)

    @plsc.parallel_loop(0, (_NP + 1) * _D // _L, unroll=8)
    def zero_a(i):
        acc_v[pl.ds(i * _L, _L)] = jnp.zeros((_L,), jnp.float32)

    dcp.wait()

    ones = jnp.ones((_L,), jnp.float32)
    lane = lax.iota(jnp.int32, _L)
    half = _G // 2
    g0 = c * half
    ob = (1 - c) * half

    @plsc.parallel_loop(0, half, unroll=4, carry=jnp.zeros((_L,), jnp.int32))
    def cur(g, cur):
        gg = g0 + g
        dvec = dst_v[pl.ds(gg * _L, _L)]
        plsc.addupdate_scatter(hist_v, [dvec], ones)
        mask = dvec < _NP
        mi = jnp.where(mask, 1, 0)
        rank = plsc.cumsum(mi) - mi
        plsc.store_scatter(mpos_v, [cur + rank], base + gg * _L + lane,
                           mask=mask)
        return cur + plsc.all_reduce_population_count(mask)

    @plsc.parallel_loop(0, half, unroll=16)
    def histonly(g):
        dvec = dst_v[pl.ds((ob + g) * _L, _L)]
        plsc.addupdate_scatter(hist_v, [dvec], ones)

    n = jnp.max(cur)
    plsc.store_scatter(mpos_v, [n + lane], lane)
    d16_v[...] = hist_v[pl.ds(0, _L)]
    pltpu.sync_copy(hist_v, hist_hbm.at[pl.ds(slot * _N, _N)])
    pltpu.sync_copy(d16_v, deg16_hbm.at[pl.ds(slot * _L, _L)])
    plsc.subcore_barrier()

    n_g = (n + _L - 1) >> 4
    hbase = c * _NS * _N

    def grp(k, cc_):
        pvec = mpos_v[pl.ds(k * _L, _L)]
        posd_v[...] = pvec + _E
        da = pltpu.async_copy(ef_hbm.at[mpos_v.at[pl.ds(k * _L, _L)]],
                              svec_v, sem)
        db = pltpu.async_copy(ef_hbm.at[posd_v], dvec_v, sem)
        da.wait()
        db.wait()
        svec = svec_v[...]
        for j in range(_NS):
            idx_v[j // 8, pl.ds((j % 8) * _L, _L)] = svec + hbase + j * _N
        dmas = [pltpu.async_copy(hist_hbm.at[idx_v.at[j]], gath_v.at[j], sem)
                for j in range(2)]
        dmas.append(pltpu.async_copy(x_hbm.at[svec_v], rows_v, sem))
        for d in dmas:
            d.wait()
        deg = jnp.ones((_L,), jnp.float32)
        for j in range(_NS):
            deg = deg + gath_v[j // 8, pl.ds((j % 8) * _L, _L)]
        disv = _newton_rsqrt(deg)
        vmask = lane < (n - k * _L)
        dvec2 = jnp.where(vmask, dvec_v[...], _NP)

        @plsc.parallel_loop(0, _D, unroll=8)
        def col(col_i):
            cvec = jnp.zeros((_L,), jnp.int32) + col_i
            vals = plsc.load_gather(rows_v, [lane, cvec])
            plsc.addupdate_scatter(acc_v, [dvec2 * _D + cvec], vals * disv,
                                   mask=vmask)
        return cc_
    lax.fori_loop(0, n_g, grp, 0)

    pltpu.sync_copy(acc_v.at[pl.ds(0, _NP * _D)],
                    acc_hbm.at[pl.ds(slot * _NP * _D, _NP * _D)])


def _sc_all(ef, x):
    mesh = plsc.VectorSubcoreMesh(core_axis_name="c", subcore_axis_name="s")
    return pl.kernel(
        _sc_body,
        out_type=(
            jax.ShapeDtypeStruct((_NW * _N,), jnp.float32),
            jax.ShapeDtypeStruct((_NW * _L,), jnp.float32),
            jax.ShapeDtypeStruct((_NW * _NP * _D,), jnp.float32),
        ),
        mesh=mesh,
        compiler_params=pltpu.CompilerParams(needs_layout_passes=False),
        scratch_types=[
            pltpu.VMEM((_EPT,), jnp.int32),
            pltpu.VMEM((_N,), jnp.float32),
            pltpu.VMEM((_MPW,), jnp.int32),
            pltpu.VMEM((_L,), jnp.float32),
            pltpu.VMEM((_L,), jnp.int32),
            pltpu.VMEM((_L,), jnp.int32),
            pltpu.VMEM((_L,), jnp.int32),
            pltpu.VMEM((2, 8 * _L), jnp.int32),
            pltpu.VMEM((2, 8 * _L), jnp.float32),
            pltpu.VMEM((_L, _D), jnp.float32),
            pltpu.VMEM(((_NP + 1) * _D,), jnp.float32),
            pltpu.SemaphoreType.DMA,
        ],
    )(ef, x)


def _head_body(d16_ref, acc_ref, x16_ref, w_ref, b_ref, wq_ref, bq_ref,
               out_ref):
    deg = jnp.sum(d16_ref[...], axis=0, keepdims=True) + 1.0
    dis = lax.rsqrt(deg)
    ones11 = jnp.ones((1, 1), jnp.float32)
    dis16 = lax.dot_general(dis, ones11,
                            (((0,), (0,)), ((), ())))
    acc = jnp.sum(acc_ref[...], axis=0)
    pre = (acc + dis16 * x16_ref[...]) * dis16
    h = jnp.dot(pre, w_ref[...], preferred_element_type=jnp.float32)
    h = h + b_ref[...]
    for i in range(_NP):
        q = jnp.dot(h[i:i + 1, :], wq_ref[i],
                    preferred_element_type=jnp.float32) + bq_ref[i:i + 1, :]
        out_ref[pl.ds(i, 1), :] = q


def _tc_heads(deg16p, acc_parts, x, conv_W, conv_b, Wq, bq):
    return pl.pallas_call(
        _head_body,
        out_shape=jax.ShapeDtypeStruct((_NP, _D), jnp.float32),
        grid=(1,),
        in_specs=[
            pl.BlockSpec((_NS, _L), lambda i: (0, 0)),
            pl.BlockSpec(acc_parts.shape, lambda i: (0, 0, 0)),
            pl.BlockSpec((_NP, _D), lambda i: (0, 0)),
            pl.BlockSpec(conv_W.shape, lambda i: (0, 0)),
            pl.BlockSpec(conv_b.shape, lambda i: (0, 0)),
            pl.BlockSpec(Wq.shape, lambda i: (0, 0, 0)),
            pl.BlockSpec(bq.shape, lambda i: (0, 0)),
        ],
        out_specs=pl.BlockSpec((_NP, _D), lambda i: (0, 0)),
    )(deg16p, acc_parts, x, conv_W, conv_b, Wq, bq)


@jax.jit
def kernel(x, edge_index, conv_W, conv_b, Wq, bq):
    ef = edge_index.reshape(2 * _E)
    hist_flat, deg16p, acc_flat = _sc_all(ef, x)
    qmat = _tc_heads(deg16p.reshape(_NW, _L), acc_flat.reshape(_NW, _NP, _D),
                     x, conv_W, conv_b.reshape(1, _D), Wq, bq)
    return tuple(qmat[i, :n] for i, n in enumerate(_PHASES))

# --- scband reference (transcript-rebuilt; emitter-appended) ---
"""Pipeline reference for scband-dqgn-light-20057497272726 (READ-ONLY COPY).

The authoritative reference and input builder live on the scoring server;
editing this copy changes nothing except your own understanding.
"""

import jax, jax.numpy as jnp
import numpy as np

NUM_NODES = 10000
NUM_EDGES = 320000
D_IN = 128
HID = 128
PHASES = [128, 96, 64, 112, 80, 48, 128, 72, 96, 64, 32, 120, 88, 56, 104, 40]
MAX_N = max(PHASES)


def setup_inputs(seed: int = 0) -> dict:
    key = jax.random.key(seed)
    ks = jax.random.split(key, 6)
    x = jax.random.normal(ks[0], (NUM_NODES, D_IN), dtype=jnp.float32)
    edge_index = jax.random.randint(ks[1], (2, NUM_EDGES), 0, NUM_NODES, dtype=jnp.int32)
    conv_W = jax.random.normal(ks[2], (D_IN, HID), dtype=jnp.float32) * (1.0 / np.sqrt(D_IN))
    conv_b = jnp.zeros((HID,), dtype=jnp.float32)
    Wq = jax.random.normal(ks[3], (len(PHASES), HID, MAX_N), dtype=jnp.float32) * (1.0 / np.sqrt(HID))
    bq = jnp.zeros((len(PHASES), MAX_N), dtype=jnp.float32)
    return {"x": x, "edge_index": edge_index, "conv_W": conv_W, "conv_b": conv_b, "Wq": Wq, "bq": bq}


def gcn_conv(x, edge_index, W, b):
    # PyG GCNConv: linear transform, add self-loops, symmetric normalization, scatter-add aggregation
    n = x.shape[0]
    xw = x @ W
    loop = jnp.arange(n, dtype=edge_index.dtype)
    src = jnp.concatenate([edge_index[0], loop])
    dst = jnp.concatenate([edge_index[1], loop])
    deg = jnp.zeros((n,), dtype=xw.dtype).at[dst].add(1.0)
    deg_inv_sqrt = jnp.where(deg > 0, 1.0 / jnp.sqrt(deg), 0.0)
    norm = deg_inv_sqrt[src] * deg_inv_sqrt[dst]
    msg = xw[src] * norm[:, None]
    out = jnp.zeros_like(xw).at[dst].add(msg)
    return out + b


def reference(x, edge_index, conv_W, conv_b, Wq, bq):
    h = gcn_conv(x, edge_index, conv_W, conv_b)
    q_values = tuple(h[i] @ Wq[i][:, :n] + bq[i][:n] for i, n in enumerate(PHASES))
    return q_values

if __name__ == "__main__":
    import jax
    _d = setup_inputs()
    print(jax.jit(kernel)(*tuple(_d.values())))

</pallas_src>

<mosaic_0001>
#map = affine_map<(d0, d1) -> (0)>
#map1 = affine_map<(d0, d1) -> (0, 0)>
module attributes {stable_mosaic.version = 14 : i64} {
  func.func @_sc_body(%arg0: i32, %arg1: i32, %arg2: memref<640000xi32, #tpu.memory_space<hbm>>, %arg3: memref<10000x128xf32, #tpu.memory_space<hbm>>, %arg4: memref<320000xf32, #tpu.memory_space<hbm>>, %arg5: memref<512xf32, #tpu.memory_space<hbm>>, %arg6: memref<65536xf32, #tpu.memory_space<hbm>>, %arg7: memref<20000xi32, #tpu.memory_space<vmem>>, %arg8: memref<10000xf32, #tpu.memory_space<vmem>>, %arg9: memref<20032xi32, #tpu.memory_space<vmem>>, %arg10: memref<16xf32, #tpu.memory_space<vmem>>, %arg11: memref<16xi32, #tpu.memory_space<vmem>>, %arg12: memref<16xi32, #tpu.memory_space<vmem>>, %arg13: memref<16xi32, #tpu.memory_space<vmem>>, %arg14: memref<2x128xi32, #tpu.memory_space<vmem>>, %arg15: memref<2x128xf32, #tpu.memory_space<vmem>>, %arg16: memref<16x128xf32, #tpu.memory_space<vmem>>, %arg17: memref<2176xf32, #tpu.memory_space<vmem>>, %arg18: memref<!tpu.dma_semaphore, #tpu.memory_space<semaphore_mem>>) attributes {dimension_semantics = [#tpu.dimension_semantics<core_parallel>, #tpu.dimension_semantics<subcore_parallel>], iteration_bounds = array<i64: 2, 16>, scalar_prefetch = 0 : i64, scratch_operands = 12 : i64, tpu.core_type = #tpu.core_type<sc_vector_subcore>, window_params = [{transform_indices = #map}, {transform_indices = #map1}, {transform_indices = #map}, {transform_indices = #map}, {transform_indices = #map}]} {
    %mul3A = arith.constant 16 : i32
    %mul3A_0 = arith.muli %arg0, %mul3A : i32
    %add3A = arith.addi %mul3A_0, %arg1 : i32
    %mul3A_1 = arith.constant 20000 : i32
    %mul3A_2 = arith.muli %arg1, %mul3A_1 : i32
    %add3A_3 = arith.constant 320000 : i32
    %add3A_4 = arith.addi %add3A_3, %mul3A_2 : i32
    %dma_start3A = tpu.memref_slice %arg2[%add3A_4] : memref<640000xi32, #tpu.memory_space<hbm>> -> memref<20000xi32, #tpu.memory_space<hbm>>
    %dma_start3A_5 = tpu.memref_slice %arg2[%add3A_4] : memref<640000xi32, #tpu.memory_space<hbm>> -> memref<20000xi32, #tpu.memory_space<hbm>>
    tpu.enqueue_dma source(%dma_start3A_5 : memref<20000xi32, #tpu.memory_space<hbm>>) target(%arg7 : memref<20000xi32, #tpu.memory_space<vmem>>) target_semaphore(%arg18 : memref<!tpu.dma_semaphore, #tpu.memory_space<semaphore_mem>>)
    %parallel_loop3A = arith.constant 0 : i32
    %parallel_loop3A_6 = arith.constant 625 : i32
    %parallel_loop3A_7 = arith.constant 1 : i32
    scf.for %parallel_loop3A_64 = %parallel_loop3A to %parallel_loop3A_6 step %parallel_loop3A_7  : i32 {
      %parallel_loop3A_65 = arith.constant 0.000000e+00 : f32
      %parallel_loop3A_66 = vector.broadcast %parallel_loop3A_65 : f32 to vector<16xf32>
      %parallel_loop3A_67 = arith.constant 16 : i32
      %parallel_loop3A_68 = arith.muli %parallel_loop3A_64, %parallel_loop3A_67 : i32
      %parallel_loop3A_69 = arith.index_cast %parallel_loop3A_68 : i32 to index
      %parallel_loop3A_70 = tpu.vector_load %arg8[%parallel_loop3A_69] {strides = array<i32>} : memref<10000xf32, #tpu.memory_space<vmem>>, vector<16xf32>,
      tpu.vector_store %arg8[%parallel_loop3A_69], %parallel_loop3A_66 {strides = array<i32>} : memref<10000xf32, #tpu.memory_space<vmem>>, vector<16xf32>,
    } {sc.loop_unroll_factor = 8 : i64, sc.parallel_access}
    %parallel_loop3A_8 = arith.constant 0 : i32
    %parallel_loop3A_9 = arith.constant 136 : i32
    %parallel_loop3A_10 = arith.constant 1 : i32
    scf.for %parallel_loop3A_64 = %parallel_loop3A_8 to %parallel_loop3A_9 step %parallel_loop3A_10  : i32 {
      %parallel_loop3A_65 = arith.constant 0.000000e+00 : f32
      %parallel_loop3A_66 = vector.broadcast %parallel_loop3A_65 : f32 to vector<16xf32>
      %parallel_loop3A_67 = arith.constant 16 : i32
      %parallel_loop3A_68 = arith.muli %parallel_loop3A_64, %parallel_loop3A_67 : i32
      %parallel_loop3A_69 = arith.index_cast %parallel_loop3A_68 : i32 to index
      %parallel_loop3A_70 = tpu.vector_load %arg17[%parallel_loop3A_69] {strides = array<i32>} : memref<2176xf32, #tpu.memory_space<vmem>>, vector<16xf32>,
      tpu.vector_store %arg17[%parallel_loop3A_69], %parallel_loop3A_66 {strides = array<i32>} : memref<2176xf32, #tpu.memory_space<vmem>>, vector<16xf32>,
    } {sc.loop_unroll_factor = 8 : i64, sc.parallel_access}
    %dma_wait3A = tpu.memref_slice %arg2[%add3A_4] : memref<640000xi32, #tpu.memory_space<hbm>> -> memref<20000xi32, #tpu.memory_space<hbm>>
    %dma_wait3A_11 = tpu.memref_slice %arg2[%add3A_4] : memref<640000xi32, #tpu.memory_space<hbm>> -> memref<20000xi32, #tpu.memory_space<hbm>>
    tpu.wait_dma2 semaphore(%arg18 : memref<!tpu.dma_semaphore, #tpu.memory_space<semaphore_mem>>) src(%dma_wait3A_11 : memref<20000xi32, #tpu.memory_space<hbm>>) dst(%arg7 : memref<20000xi32, #tpu.memory_space<vmem>>)
    %broadcast_in_dim3A = arith.constant 1.000000e+00 : f32
    %broadcast_in_dim3A_12 = vector.broadcast %broadcast_in_dim3A : f32 to vector<16xf32>
    %iota3A = tpu.iota {dimensions = array<i32: 0>} : vector<16xi32>
    %mul3A_13 = arith.constant 625 : i32
    %mul3A_14 = arith.muli %arg0, %mul3A_13 : i32
    %sub3A = arith.constant 1 : i32
    %sub3A_15 = arith.subi %sub3A, %arg0 : i32
    %mul3A_16 = arith.constant 625 : i32
    %mul3A_17 = arith.muli %sub3A_15, %mul3A_16 : i32
    %broadcast_in_dim3A_18 = arith.constant 0 : i32
    %broadcast_in_dim3A_19 = vector.broadcast %broadcast_in_dim3A_18 : i32 to vector<16xi32>
    %parallel_loop3A_20 = arith.constant 0 : i32
    %parallel_loop3A_21 = arith.constant 625 : i32
    %parallel_loop3A_22 = arith.constant 1 : i32
    %parallel_loop3A_23 = scf.for %parallel_loop3A_64 = %parallel_loop3A_20 to %parallel_loop3A_21 step %parallel_loop3A_22 iter_args(%parallel_loop3A_65 = %broadcast_in_dim3A_19) -> (vector<16xi32>)  : i32 {
      %parallel_loop3A_66 = arith.addi %mul3A_14, %parallel_loop3A_64 : i32
      %parallel_loop3A_67 = arith.constant 16 : i32
      %parallel_loop3A_68 = arith.muli %parallel_loop3A_66, %parallel_loop3A_67 : i32
      %parallel_loop3A_69 = arith.index_cast %parallel_loop3A_68 : i32 to index
      %parallel_loop3A_70 = tpu.vector_load %arg7[%parallel_loop3A_69] {strides = array<i32>} : memref<20000xi32, #tpu.memory_space<vmem>>, vector<16xi32>,
      tpu.vector_store_idx %arg8[%parallel_loop3A_70], %broadcast_in_dim3A_12 {add = true} : memref<10000xf32, #tpu.memory_space<vmem>>[vector<16xi32>], vector<16xf32>,
      %parallel_loop3A_71 = arith.constant 16 : i32
      %parallel_loop3A_72 = vector.broadcast %parallel_loop3A_71 : i32 to vector<16xi32>
      %parallel_loop3A_73 = arith.cmpi slt, %parallel_loop3A_70, %parallel_loop3A_72 : vector<16xi32>
      %parallel_loop3A_74 = arith.constant 1 : i32
      %parallel_loop3A_75 = arith.constant 0 : i32
      %parallel_loop3A_76 = vector.broadcast %parallel_loop3A_74 : i32 to vector<16xi32>
      %parallel_loop3A_77 = vector.broadcast %parallel_loop3A_75 : i32 to vector<16xi32>
      %parallel_loop3A_78 = arith.select %parallel_loop3A_73, %parallel_loop3A_76, %parallel_loop3A_77 : vector<16xi1>, vector<16xi32>
      %parallel_loop3A_79 = arith.constant true
      %parallel_loop3A_80 = vector.broadcast %parallel_loop3A_79 : i1 to vector<16xi1>
      %parallel_loop3A_81 = tpu.scan <sum>, %parallel_loop3A_78 masked %parallel_loop3A_80 : vector<16xi32>, vector<16xi1> -> vector<16xi32>
      %parallel_loop3A_82 = arith.subi %parallel_loop3A_81, %parallel_loop3A_78 : vector<16xi32>
      %parallel_loop3A_83 = arith.addi %parallel_loop3A_65, %parallel_loop3A_82 : vector<16xi32>
      %parallel_loop3A_84 = arith.constant 16 : i32
      %parallel_loop3A_85 = arith.muli %parallel_loop3A_66, %parallel_loop3A_84 : i32
      %parallel_loop3A_86 = arith.addi %mul3A_2, %parallel_loop3A_85 : i32
      %parallel_loop3A_87 = vector.broadcast %parallel_loop3A_86 : i32 to vector<16xi32>
      %parallel_loop3A_88 = arith.addi %parallel_loop3A_87, %iota3A : vector<16xi32>
      tpu.vector_store_idx %arg9[%parallel_loop3A_83], %parallel_loop3A_88 masked %parallel_loop3A_73 : memref<20032xi32, #tpu.memory_space<vmem>>[vector<16xi32>], vector<16xi32>, vector<16xi1>
      %parallel_loop3A_89 = tpu.all_reduce %parallel_loop3A_73 {dim = 0 : i64, kind = #tpu.reduction_kind<sum>} : vector<16xi1> -> vector<16xi32>
      %parallel_loop3A_90 = arith.addi %parallel_loop3A_65, %parallel_loop3A_89 : vector<16xi32>
      scf.yield %parallel_loop3A_90 : vector<16xi32>
    } {sc.loop_unroll_factor = 4 : i64, sc.parallel_access}
    %parallel_loop3A_24 = arith.constant 0 : i32
    %parallel_loop3A_25 = arith.constant 625 : i32
    %parallel_loop3A_26 = arith.constant 1 : i32
    scf.for %parallel_loop3A_64 = %parallel_loop3A_24 to %parallel_loop3A_25 step %parallel_loop3A_26  : i32 {
      %parallel_loop3A_65 = arith.addi %mul3A_17, %parallel_loop3A_64 : i32
      %parallel_loop3A_66 = arith.constant 16 : i32
      %parallel_loop3A_67 = arith.muli %parallel_loop3A_65, %parallel_loop3A_66 : i32
      %parallel_loop3A_68 = arith.index_cast %parallel_loop3A_67 : i32 to index
      %parallel_loop3A_69 = tpu.vector_load %arg7[%parallel_loop3A_68] {strides = array<i32>} : memref<20000xi32, #tpu.memory_space<vmem>>, vector<16xi32>,
      tpu.vector_store_idx %arg8[%parallel_loop3A_69], %broadcast_in_dim3A_12 {add = true} : memref<10000xf32, #tpu.memory_space<vmem>>[vector<16xi32>], vector<16xf32>,
    } {sc.loop_unroll_factor = 16 : i64, sc.parallel_access}
    %reduce_max3A = arith.constant true
    %reduce_max3A_27 = vector.broadcast %reduce_max3A : i1 to vector<16xi1>
    %reduce_max3A_28 = arith.constant -2147483648 : i32
    %reduce_max3A_29 = vector.broadcast %reduce_max3A_28 : i32 to vector<16xi32>
    %reduce_max3A_30 = arith.xori %parallel_loop3A_23, %reduce_max3A_29 : vector<16xi32>
    %reduce_max3A_31 = tpu.scan <max>, %reduce_max3A_30 masked %reduce_max3A_27 : vector<16xi32>, vector<16xi1> -> vector<16xi32>
    %reduce_max3A_32 = arith.xori %reduce_max3A_31, %reduce_max3A_29 : vector<16xi32>
    %reduce_max3A_33 = vector.extract %reduce_max3A_32[15] : i32 from vector<16xi32>
    %add3A_34 = vector.broadcast %reduce_max3A_33 : i32 to vector<16xi32>
    %add3A_35 = arith.addi %add3A_34, %iota3A : vector<16xi32>
    tpu.vector_store_idx %arg9[%add3A_35], %iota3A : memref<20032xi32, #tpu.memory_space<vmem>>[vector<16xi32>], vector<16xi32>,
    %get3A = arith.constant 0 : index
    %get3A_36 = tpu.vector_load %arg8[%get3A] {strides = array<i32>} : memref<10000xf32, #tpu.memory_space<vmem>>, vector<16xf32>,
    %swap3A = arith.constant 0 : index
    %swap3A_37 = tpu.vector_load %arg10[%swap3A] {strides = array<i32>} : memref<16xf32, #tpu.memory_space<vmem>>, vector<16xf32>,
    tpu.vector_store %arg10[%swap3A], %get3A_36 {strides = array<i32>} : memref<16xf32, #tpu.memory_space<vmem>>, vector<16xf32>,
    %mul3A_38 = arith.constant 10000 : i32
    %mul3A_39 = arith.muli %add3A, %mul3A_38 : i32
    "tpu.region"() ({
      %run_scoped3A = tpu.sem_alloc : memref<!tpu.dma_semaphore, #tpu.memory_space<semaphore_mem>>
      %dma_start3A_64 = tpu.memref_slice %arg4[%mul3A_39] : memref<320000xf32, #tpu.memory_space<hbm>> -> memref<10000xf32, #tpu.memory_space<hbm>>
      %dma_start3A_65 = tpu.memref_slice %arg4[%mul3A_39] : memref<320000xf32, #tpu.memory_space<hbm>> -> memref<10000xf32, #tpu.memory_space<hbm>>
      tpu.enqueue_dma source(%arg8 : memref<10000xf32, #tpu.memory_space<vmem>>) target(%dma_start3A_65 : memref<10000xf32, #tpu.memory_space<hbm>>) target_semaphore(%run_scoped3A : memref<!tpu.dma_semaphore, #tpu.memory_space<semaphore_mem>>)
      %dma_wait3A_66 = tpu.memref_slice %arg4[%mul3A_39] : memref<320000xf32, #tpu.memory_space<hbm>> -> memref<10000xf32, #tpu.memory_space<hbm>>
      %dma_wait3A_67 = tpu.memref_slice %arg4[%mul3A_39] : memref<320000xf32, #tpu.memory_space<hbm>> -> memref<10000xf32, #tpu.memory_space<hbm>>
      tpu.wait_dma2 semaphore(%run_scoped3A : memref<!tpu.dma_semaphore, #tpu.memory_space<semaphore_mem>>) src(%arg8 : memref<10000xf32, #tpu.memory_space<vmem>>) dst(%dma_wait3A_67 : memref<10000xf32, #tpu.memory_space<hbm>>)
      tpu.yield
    }) : () -> ()
    %mul3A_40 = arith.constant 16 : i32
    %mul3A_41 = arith.muli %add3A, %mul3A_40 : i32
    "tpu.region"() ({
      %run_scoped3A = tpu.sem_alloc : memref<!tpu.dma_semaphore, #tpu.memory_space<semaphore_mem>>
      %dma_start3A_64 = tpu.memref_slice %arg5[%mul3A_41] : memref<512xf32, #tpu.memory_space<hbm>> -> memref<16xf32, #tpu.memory_space<hbm>>
      %dma_start3A_65 = tpu.memref_slice %arg5[%mul3A_41] : memref<512xf32, #tpu.memory_space<hbm>> -> memref<16xf32, #tpu.memory_space<hbm>>
      tpu.enqueue_dma source(%arg10 : memref<16xf32, #tpu.memory_space<vmem>>) target(%dma_start3A_65 : memref<16xf32, #tpu.memory_space<hbm>>) target_semaphore(%run_scoped3A : memref<!tpu.dma_semaphore, #tpu.memory_space<semaphore_mem>>)
      %dma_wait3A_66 = tpu.memref_slice %arg5[%mul3A_41] : memref<512xf32, #tpu.memory_space<hbm>> -> memref<16xf32, #tpu.memory_space<hbm>>
      %dma_wait3A_67 = tpu.memref_slice %arg5[%mul3A_41] : memref<512xf32, #tpu.memory_space<hbm>> -> memref<16xf32, #tpu.memory_space<hbm>>
      tpu.wait_dma2 semaphore(%run_scoped3A : memref<!tpu.dma_semaphore, #tpu.memory_space<semaphore_mem>>) src(%arg10 : memref<16xf32, #tpu.memory_space<vmem>>) dst(%dma_wait3A_67 : memref<16xf32, #tpu.memory_space<hbm>>)
      tpu.yield
    }) : () -> ()
    %barrier3A = arith.constant 0 : index
    tpu.barrier barrier_id(%barrier3A)
    %add3A_42 = arith.constant 16 : i32
    %add3A_43 = arith.addi %reduce_max3A_33, %add3A_42 : i32
    %sub3A_44 = arith.constant 1 : i32
    %sub3A_45 = arith.subi %add3A_43, %sub3A_44 : i32
    %shift_right_arithmetic3A = arith.constant 4 : i32
    %shift_right_arithmetic3A_46 = arith.shrsi %sub3A_45, %shift_right_arithmetic3A : i32
    %mul3A_47 = arith.constant 16 : i32
    %mul3A_48 = arith.muli %arg0, %mul3A_47 : i32
    %mul3A_49 = arith.constant 10000 : i32
    %mul3A_50 = arith.muli %mul3A_48, %mul3A_49 : i32
    %while3A = arith.constant 0 : i32
    %while3A_51 = arith.constant 0 : i32
    %while3A_52 = arith.subi %shift_right_arithmetic3A_46, %while3A_51 : i32
    %while3A_53 = arith.addi %while3A_51, %while3A_52 : i32
    %while3A_54 = arith.constant 1 : i32
    %while3A_55 = arith.divsi %while3A_52, %while3A_54 : i32
    %while3A_56 = arith.muli %while3A_55, %while3A_54 : i32
    %while3A_57 = arith.addi %while3A_51, %while3A_56 : i32
    %while3A_58 = arith.constant 1 : i32
    scf.for %while3A_64 = %while3A_51 to %while3A_57 step %while3A_58  : i32 {
      %mul3A_65 = arith.constant 16 : i32
      %mul3A_66 = arith.muli %while3A_64, %mul3A_65 : i32
      %get3A_67 = arith.index_cast %mul3A_66 : i32 to index
      %get3A_68 = tpu.vector_load %arg9[%get3A_67] {strides = array<i32>} : memref<20032xi32, #tpu.memory_space<vmem>>, vector<16xi32>,
      %add3A_69 = arith.constant 320000 : i32
      %add3A_70 = vector.broadcast %add3A_69 : i32 to vector<16xi32>
      %add3A_71 = arith.addi %get3A_68, %add3A_70 : vector<16xi32>
      %swap3A_72 = arith.constant 0 : index
      %swap3A_73 = tpu.vector_load %arg11[%swap3A_72] {strides = array<i32>} : memref<16xi32, #tpu.memory_space<vmem>>, vector<16xi32>,
      tpu.vector_store %arg11[%swap3A_72], %add3A_71 {strides = array<i32>} : memref<16xi32, #tpu.memory_space<vmem>>, vector<16xi32>,
      %mul3A_74 = arith.constant 16 : i32
      %mul3A_75 = arith.muli %while3A_64, %mul3A_74 : i32
      %dma_start3A_76 = tpu.memref_slice %arg9[%mul3A_75] : memref<20032xi32, #tpu.memory_space<vmem>> -> memref<16xi32, #tpu.memory_space<vmem>>
      %dma_start3A_77 = arith.constant 0 : i32
      %dma_start3A_78 = tpu.memref_slice %arg2[%dma_start3A_77] : memref<640000xi32, #tpu.memory_space<hbm>> -> memref<640000xi32, #tpu.memory_space<hbm>>
      tpu.enqueue_indirect_dma source(%dma_start3A_78 : memref<640000xi32, #tpu.memory_space<hbm>>) target(%arg12 : memref<16xi32, #tpu.memory_space<vmem>>) offsets(%dma_start3A_76 : memref<16xi32, #tpu.memory_space<vmem>>) semaphore(%arg18 : memref<!tpu.dma_semaphore, #tpu.memory_space<semaphore_mem>>)
      %dma_start3A_79 = arith.constant 0 : i32
      %dma_start3A_80 = tpu.memref_slice %arg2[%dma_start3A_79] : memref<640000xi32, #tpu.memory_space<hbm>> -> memref<640000xi32, #tpu.memory_space<hbm>>
      tpu.enqueue_indirect_dma source(%dma_start3A_80 : memref<640000xi32, #tpu.memory_space<hbm>>) target(%arg13 : memref<16xi32, #tpu.memory_space<vmem>>) offsets(%arg11 : memref<16xi32, #tpu.memory_space<vmem>>) semaphore(%arg18 : memref<!tpu.dma_semaphore, #tpu.memory_space<semaphore_mem>>)
      %dma_wait3A_81 = tpu.memref_slice %arg9[%mul3A_75] : memref<20032xi32, #tpu.memory_space<vmem>> -> memref<16xi32, #tpu.memory_space<vmem>>
      %dma_wait3A_82 = arith.constant 0 : i32
      %dma_wait3A_83 = tpu.memref_slice %arg2[%dma_wait3A_82] : memref<640000xi32, #tpu.memory_space<hbm>> -> memref<640000xi32, #tpu.memory_space<hbm>>
      tpu.wait_indirect_dma semaphore(%arg18 : memref<!tpu.dma_semaphore, #tpu.memory_space<semaphore_mem>>) src(%dma_wait3A_83 : memref<640000xi32, #tpu.memory_space<hbm>>) dst(%arg12 : memref<16xi32, #tpu.memory_space<vmem>>)
      %dma_wait3A_84 = arith.constant 0 : i32
      %dma_wait3A_85 = tpu.memref_slice %arg2[%dma_wait3A_84] : memref<640000xi32, #tpu.memory_space<hbm>> -> memref<640000xi32, #tpu.memory_space<hbm>>
      tpu.wait_indirect_dma semaphore(%arg18 : memref<!tpu.dma_semaphore, #tpu.memory_space<semaphore_mem>>) src(%dma_wait3A_85 : memref<640000xi32, #tpu.memory_space<hbm>>) dst(%arg13 : memref<16xi32, #tpu.memory_space<vmem>>)
      %get3A_86 = arith.constant 0 : index
      %get3A_87 = tpu.vector_load %arg12[%get3A_86] {strides = array<i32>} : memref<16xi32, #tpu.memory_space<vmem>>, vector<16xi32>,
      %add3A_88 = vector.broadcast %mul3A_50 : i32 to vector<16xi32>
      %add3A_89 = arith.addi %get3A_87, %add3A_88 : vector<16xi32>
      %add3A_90 = arith.constant 0 : i32
      %add3A_91 = vector.broadcast %add3A_90 : i32 to vector<16xi32>
      %add3A_92 = arith.addi %add3A_89, %add3A_91 : vector<16xi32>
      %swap3A_93 = arith.constant 0 : i32
      %swap3A_94 = arith.index_cast %swap3A_93 : i32 to index
      %swap3A_95 = arith.constant 0 : index
      %swap3A_96 = tpu.vector_load %arg14[%swap3A_94, %swap3A_95] {strides = array<i32>} : memref<2x128xi32, #tpu.memory_space<vmem>>, vector<16xi32>,
      tpu.vector_store %arg14[%swap3A_94, %swap3A_95], %add3A_92 {strides = array<i32>} : memref<2x128xi32, #tpu.memory_space<vmem>>, vector<16xi32>,
      %add3A_97 = vector.broadcast %mul3A_50 : i32 to vector<16xi32>
      %add3A_98 = arith.addi %get3A_87, %add3A_97 : vector<16xi32>
      %add3A_99 = arith.constant 10000 : i32
      %add3A_100 = vector.broadcast %add3A_99 : i32 to vector<16xi32>
      %add3A_101 = arith.addi %add3A_98, %add3A_100 : vector<16xi32>
      %swap3A_102 = arith.constant 0 : i32
      %swap3A_103 = arith.index_cast %swap3A_102 : i32 to index
      %swap3A_104 = arith.constant 16 : index
      %swap3A_105 = tpu.vector_load %arg14[%swap3A_103, %swap3A_104] {strides = array<i32>} : memref<2x128xi32, #tpu.memory_space<vmem>>, vector<16xi32>,
      tpu.vector_store %arg14[%swap3A_103, %swap3A_104], %add3A_101 {strides = array<i32>} : memref<2x128xi32, #tpu.memory_space<vmem>>, vector<16xi32>,
      %add3A_106 = vector.broadcast %mul3A_50 : i32 to vector<16xi32>
      %add3A_107 = arith.addi %get3A_87, %add3A_106 : vector<16xi32>
      %add3A_108 = arith.constant 20000 : i32
      %add3A_109 = vector.broadcast %add3A_108 : i32 to vector<16xi32>
      %add3A_110 = arith.addi %add3A_107, %add3A_109 : vector<16xi32>
      %swap3A_111 = arith.constant 0 : i32
      %swap3A_112 = arith.index_cast %swap3A_111 : i32 to index
      %swap3A_113 = arith.constant 32 : index
      %swap3A_114 = tpu.vector_load %arg14[%swap3A_112, %swap3A_113] {strides = array<i32>} : memref<2x128xi32, #tpu.memory_space<vmem>>, vector<16xi32>,
      tpu.vector_store %arg14[%swap3A_112, %swap3A_113], %add3A_110 {strides = array<i32>} : memref<2x128xi32, #tpu.memory_space<vmem>>, vector<16xi32>,
      %add3A_115 = vector.broadcast %mul3A_50 : i32 to vector<16xi32>
      %add3A_116 = arith.addi %get3A_87, %add3A_115 : vector<16xi32>
      %add3A_117 = arith.constant 30000 : i32
      %add3A_118 = vector.broadcast %add3A_117 : i32 to vector<16xi32>
      %add3A_119 = arith.addi %add3A_116, %add3A_118 : vector<16xi32>
      %swap3A_120 = arith.constant 0 : i32
      %swap3A_121 = arith.index_cast %swap3A_120 : i32 to index
      %swap3A_122 = arith.constant 48 : index
      %swap3A_123 = tpu.vector_load %arg14[%swap3A_121, %swap3A_122] {strides = array<i32>} : memref<2x128xi32, #tpu.memory_space<vmem>>, vector<16xi32>,
      tpu.vector_store %arg14[%swap3A_121, %swap3A_122], %add3A_119 {strides = array<i32>} : memref<2x128xi32, #tpu.memory_space<vmem>>, vector<16xi32>,
      %add3A_124 = vector.broadcast %mul3A_50 : i32 to vector<16xi32>
      %add3A_125 = arith.addi %get3A_87, %add3A_124 : vector<16xi32>
      %add3A_126 = arith.constant 40000 : i32
      %add3A_127 = vector.broadcast %add3A_126 : i32 to vector<16xi32>
      %add3A_128 = arith.addi %add3A_125, %add3A_127 : vector<16xi32>
      %swap3A_129 = arith.constant 0 : i32
      %swap3A_130 = arith.index_cast %swap3A_129 : i32 to index
      %swap3A_131 = arith.constant 64 : index
      %swap3A_132 = tpu.vector_load %arg14[%swap3A_130, %swap3A_131] {strides = array<i32>} : memref<2x128xi32, #tpu.memory_space<vmem>>, vector<16xi32>,
      tpu.vector_store %arg14[%swap3A_130, %swap3A_131], %add3A_128 {strides = array<i32>} : memref<2x128xi32, #tpu.memory_space<vmem>>, vector<16xi32>,
      %add3A_133 = vector.broadcast %mul3A_50 : i32 to vector<16xi32>
      %add3A_134 = arith.addi %get3A_87, %add3A_133 : vector<16xi32>
      %add3A_135 = arith.constant 50000 : i32
      %add3A_136 = vector.broadcast %add3A_135 : i32 to vector<16xi32>
      %add3A_137 = arith.addi %add3A_134, %add3A_136 : vector<16xi32>
      %swap3A_138 = arith.constant 0 : i32
      %swap3A_139 = arith.index_cast %swap3A_138 : i32 to index
      %swap3A_140 = arith.constant 80 : index
      %swap3A_141 = tpu.vector_load %arg14[%swap3A_139, %swap3A_140] {strides = array<i32>} : memref<2x128xi32, #tpu.memory_space<vmem>>, vector<16xi32>,
      tpu.vector_store %arg14[%swap3A_139, %swap3A_140], %add3A_137 {strides = array<i32>} : memref<2x128xi32, #tpu.memory_space<vmem>>, vector<16xi32>,
      %add3A_142 = vector.broadcast %mul3A_50 : i32 to vector<16xi32>
      %add3A_143 = arith.addi %get3A_87, %add3A_142 : vector<16xi32>
      %add3A_144 = arith.constant 60000 : i32
      %add3A_145 = vector.broadcast %add3A_144 : i32 to vector<16xi32>
      %add3A_146 = arith.addi %add3A_143, %add3A_145 : vector<16xi32>
      %swap3A_147 = arith.constant 0 : i32
      %swap3A_148 = arith.index_cast %swap3A_147 : i32 to index
      %swap3A_149 = arith.constant 96 : index
      %swap3A_150 = tpu.vector_load %arg14[%swap3A_148, %swap3A_149] {strides = array<i32>} : memref<2x128xi32, #tpu.memory_space<vmem>>, vector<16xi32>,
      tpu.vector_store %arg14[%swap3A_148, %swap3A_149], %add3A_146 {strides = array<i32>} : memref<2x128xi32, #tpu.memory_space<vmem>>, vector<16xi32>,
      %add3A_151 = vector.broadcast %mul3A_50 : i32 to vector<16xi32>
      %add3A_152 = arith.addi %get3A_87, %add3A_151 : vector<16xi32>
      %add3A_153 = arith.constant 70000 : i32
      %add3A_154 = vector.broadcast %add3A_153 : i32 to vector<16xi32>
      %add3A_155 = arith.addi %add3A_152, %add3A_154 : vector<16xi32>
      %swap3A_156 = arith.constant 0 : i32
      %swap3A_157 = arith.index_cast %swap3A_156 : i32 to index
      %swap3A_158 = arith.constant 112 : index
      %swap3A_159 = tpu.vector_load %arg14[%swap3A_157, %swap3A_158] {strides = array<i32>} : memref<2x128xi32, #tpu.memory_space<vmem>>, vector<16xi32>,
      tpu.vector_store %arg14[%swap3A_157, %swap3A_158], %add3A_155 {strides = array<i32>} : memref<2x128xi32, #tpu.memory_space<vmem>>, vector<16xi32>,
      %add3A_160 = vector.broadcast %mul3A_50 : i32 to vector<16xi32>
      %add3A_161 = arith.addi %get3A_87, %add3A_160 : vector<16xi32>
      %add3A_162 = arith.constant 80000 : i32
      %add3A_163 = vector.broadcast %add3A_162 : i32 to vector<16xi32>
      %add3A_164 = arith.addi %add3A_161, %add3A_163 : vector<16xi32>
      %swap3A_165 = arith.constant 1 : i32
      %swap3A_166 = arith.index_cast %swap3A_165 : i32 to index
      %swap3A_167 = arith.constant 0 : index
      %swap3A_168 = tpu.vector_load %arg14[%swap3A_166, %swap3A_167] {strides = array<i32>} : memref<2x128xi32, #tpu.memory_space<vmem>>, vector<16xi32>,
      tpu.vector_store %arg14[%swap3A_166, %swap3A_167], %add3A_164 {strides = array<i32>} : memref<2x128xi32, #tpu.memory_space<vmem>>, vector<16xi32>,
      %add3A_169 = vector.broadcast %mul3A_50 : i32 to vector<16xi32>
      %add3A_170 = arith.addi %get3A_87, %add3A_169 : vector<16xi32>
      %add3A_171 = arith.constant 90000 : i32
      %add3A_172 = vector.broadcast %add3A_171 : i32 to vector<16xi32>
      %add3A_173 = arith.addi %add3A_170, %add3A_172 : vector<16xi32>
      %swap3A_174 = arith.constant 1 : i32
      %swap3A_175 = arith.index_cast %swap3A_174 : i32 to index
      %swap3A_176 = arith.constant 16 : index
      %swap3A_177 = tpu.vector_load %arg14[%swap3A_175, %swap3A_176] {strides = array<i32>} : memref<2x128xi32, #tpu.memory_space<vmem>>, vector<16xi32>,
      tpu.vector_store %arg14[%swap3A_175, %swap3A_176], %add3A_173 {strides = array<i32>} : memref<2x128xi32, #tpu.memory_space<vmem>>, vector<16xi32>,
      %add3A_178 = vector.broadcast %mul3A_50 : i32 to vector<16xi32>
      %add3A_179 = arith.addi %get3A_87, %add3A_178 : vector<16xi32>
      %add3A_180 = arith.constant 100000 : i32
      %add3A_181 = vector.broadcast %add3A_180 : i32 to vector<16xi32>
      %add3A_182 = arith.addi %add3A_179, %add3A_181 : vector<16xi32>
      %swap3A_183 = arith.constant 1 : i32
      %swap3A_184 = arith.index_cast %swap3A_183 : i32 to index
      %swap3A_185 = arith.constant 32 : index
      %swap3A_186 = tpu.vector_load %arg14[%swap3A_184, %swap3A_185] {strides = array<i32>} : memref<2x128xi32, #tpu.memory_space<vmem>>, vector<16xi32>,
      tpu.vector_store %arg14[%swap3A_184, %swap3A_185], %add3A_182 {strides = array<i32>} : memref<2x128xi32, #tpu.memory_space<vmem>>, vector<16xi32>,
      %add3A_187 = vector.broadcast %mul3A_50 : i32 to vector<16xi32>
      %add3A_188 = arith.addi %get3A_87, %add3A_187 : vector<16xi32>
      %add3A_189 = arith.constant 110000 : i32
      %add3A_190 = vector.broadcast %add3A_189 : i32 to vector<16xi32>
      %add3A_191 = arith.addi %add3A_188, %add3A_190 : vector<16xi32>
      %swap3A_192 = arith.constant 1 : i32
      %swap3A_193 = arith.index_cast %swap3A_192 : i32 to index
      %swap3A_194 = arith.constant 48 : index
      %swap3A_195 = tpu.vector_load %arg14[%swap3A_193, %swap3A_194] {strides = array<i32>} : memref<2x128xi32, #tpu.memory_space<vmem>>, vector<16xi32>,
      tpu.vector_store %arg14[%swap3A_193, %swap3A_194], %add3A_191 {strides = array<i32>} : memref<2x128xi32, #tpu.memory_space<vmem>>, vector<16xi32>,
      %add3A_196 = vector.broadcast %mul3A_50 : i32 to vector<16xi32>
      %add3A_197 = arith.addi %get3A_87, %add3A_196 : vector<16xi32>
      %add3A_198 = arith.constant 120000 : i32
      %add3A_199 = vector.broadcast %add3A_198 : i32 to vector<16xi32>
      %add3A_200 = arith.addi %add3A_197, %add3A_199 : vector<16xi32>
      %swap3A_201 = arith.constant 1 : i32
      %swap3A_202 = arith.index_cast %swap3A_201 : i32 to index
      %swap3A_203 = arith.constant 64 : index
      %swap3A_204 = tpu.vector_load %arg14[%swap3A_202, %swap3A_203] {strides = array<i32>} : memref<2x128xi32, #tpu.memory_space<vmem>>, vector<16xi32>,
      tpu.vector_store %arg14[%swap3A_202, %swap3A_203], %add3A_200 {strides = array<i32>} : memref<2x128xi32, #tpu.memory_space<vmem>>, vector<16xi32>,
      %add3A_205 = vector.broadcast %mul3A_50 : i32 to vector<16xi32>
      %add3A_206 = arith.addi %get3A_87, %add3A_205 : vector<16xi32>
      %add3A_207 = arith.constant 130000 : i32
      %add3A_208 = vector.broadcast %add3A_207 : i32 to vector<16xi32>
      %add3A_209 = arith.addi %add3A_206, %add3A_208 : vector<16xi32>
      %swap3A_210 = arith.constant 1 : i32
      %swap3A_211 = arith.index_cast %swap3A_210 : i32 to index
      %swap3A_212 = arith.constant 80 : index
      %swap3A_213 = tpu.vector_load %arg14[%swap3A_211, %swap3A_212] {strides = array<i32>} : memref<2x128xi32, #tpu.memory_space<vmem>>, vector<16xi32>,
      tpu.vector_store %arg14[%swap3A_211, %swap3A_212], %add3A_209 {strides = array<i32>} : memref<2x128xi32, #tpu.memory_space<vmem>>, vector<16xi32>,
      %add3A_214 = vector.broadcast %mul3A_50 : i32 to vector<16xi32>
      %add3A_215 = arith.addi %get3A_87, %add3A_214 : vector<16xi32>
      %add3A_216 = arith.constant 140000 : i32
      %add3A_217 = vector.broadcast %add3A_216 : i32 to vector<16xi32>
      %add3A_218 = arith.addi %add3A_215, %add3A_217 : vector<16xi32>
      %swap3A_219 = arith.constant 1 : i32
      %swap3A_220 = arith.index_cast %swap3A_219 : i32 to index
      %swap3A_221 = arith.constant 96 : index
      %swap3A_222 = tpu.vector_load %arg14[%swap3A_220, %swap3A_221] {strides = array<i32>} : memref<2x128xi32, #tpu.memory_space<vmem>>, vector<16xi32>,
      tpu.vector_store %arg14[%swap3A_220, %swap3A_221], %add3A_218 {strides = array<i32>} : memref<2x128xi32, #tpu.memory_space<vmem>>, vector<16xi32>,
      %add3A_223 = vector.broadcast %mul3A_50 : i32 to vector<16xi32>
      %add3A_224 = arith.addi %get3A_87, %add3A_223 : vector<16xi32>
      %add3A_225 = arith.constant 150000 : i32
      %add3A_226 = vector.broadcast %add3A_225 : i32 to vector<16xi32>
      %add3A_227 = arith.addi %add3A_224, %add3A_226 : vector<16xi32>
      %swap3A_228 = arith.constant 1 : i32
      %swap3A_229 = arith.index_cast %swap3A_228 : i32 to index
      %swap3A_230 = arith.constant 112 : index
      %swap3A_231 = tpu.vector_load %arg14[%swap3A_229, %swap3A_230] {strides = array<i32>} : memref<2x128xi32, #tpu.memory_space<vmem>>, vector<16xi32>,
      tpu.vector_store %arg14[%swap3A_229, %swap3A_230], %add3A_227 {strides = array<i32>} : memref<2x128xi32, #tpu.memory_space<vmem>>, vector<16xi32>,
      %dma_start3A_232 = arith.constant 0 : i32
      %dma_start3A_233 = arith.constant 0 : i32
      %dma_start3A_234 = arith.constant 0 : i32
      %dma_start3A_235 = tpu.memref_slice %arg15[%dma_start3A_233, %dma_start3A_234] : memref<2x128xf32, #tpu.memory_space<vmem>> -> memref<1x128xf32, #tpu.memory_space<vmem>>
      %dma_start3A_236 = tpu.memref_squeeze %dma_start3A_235 : memref<1x128xf32, #tpu.memory_space<vmem>> -> memref<128xf32, #tpu.memory_space<vmem>>
      %dma_start3A_237 = arith.constant 0 : i32
      %dma_start3A_238 = tpu.memref_slice %arg14[%dma_start3A_232, %dma_start3A_237] : memref<2x128xi32, #tpu.memory_space<vmem>> -> memref<1x128xi32, #tpu.memory_space<vmem>>
      %dma_start3A_239 = tpu.memref_squeeze %dma_start3A_238 : memref<1x128xi32, #tpu.memory_space<vmem>> -> memref<128xi32, #tpu.memory_space<vmem>>
      %dma_start3A_240 = arith.constant 0 : i32
      %dma_start3A_241 = tpu.memref_slice %arg4[%dma_start3A_240] : memref<320000xf32, #tpu.memory_space<hbm>> -> memref<320000xf32, #tpu.memory_space<hbm>>
      tpu.enqueue_indirect_dma source(%dma_start3A_241 : memref<320000xf32, #tpu.memory_space<hbm>>) target(%dma_start3A_236 : memref<128xf32, #tpu.memory_space<vmem>>) offsets(%dma_start3A_239 : memref<128xi32, #tpu.memory_space<vmem>>) semaphore(%arg18 : memref<!tpu.dma_semaphore, #tpu.memory_space<semaphore_mem>>)
      %dma_start3A_242 = arith.constant 1 : i32
      %dma_start3A_243 = arith.constant 1 : i32
      %dma_start3A_244 = arith.constant 0 : i32
      %dma_start3A_245 = tpu.memref_slice %arg15[%dma_start3A_243, %dma_start3A_244] : memref<2x128xf32, #tpu.memory_space<vmem>> -> memref<1x128xf32, #tpu.memory_space<vmem>>
      %dma_start3A_246 = tpu.memref_squeeze %dma_start3A_245 : memref<1x128xf32, #tpu.memory_space<vmem>> -> memref<128xf32, #tpu.memory_space<vmem>>
      %dma_start3A_247 = arith.constant 0 : i32
      %dma_start3A_248 = tpu.memref_slice %arg14[%dma_start3A_242, %dma_start3A_247] : memref<2x128xi32, #tpu.memory_space<vmem>> -> memref<1x128xi32, #tpu.memory_space<vmem>>
      %dma_start3A_249 = tpu.memref_squeeze %dma_start3A_248 : memref<1x128xi32, #tpu.memory_space<vmem>> -> memref<128xi32, #tpu.memory_space<vmem>>
      %dma_start3A_250 = arith.constant 0 : i32
      %dma_start3A_251 = tpu.memref_slice %arg4[%dma_start3A_250] : memref<320000xf32, #tpu.memory_space<hbm>> -> memref<320000xf32, #tpu.memory_space<hbm>>
      tpu.enqueue_indirect_dma source(%dma_start3A_251 : memref<320000xf32, #tpu.memory_space<hbm>>) target(%dma_start3A_246 : memref<128xf32, #tpu.memory_space<vmem>>) offsets(%dma_start3A_249 : memref<128xi32, #tpu.memory_space<vmem>>) semaphore(%arg18 : memref<!tpu.dma_semaphore, #tpu.memory_space<semaphore_mem>>)
      %dma_start3A_252 = arith.constant 0 : i32
      %dma_start3A_253 = arith.constant 0 : i32
      %dma_start3A_254 = tpu.memref_slice %arg3[%dma_start3A_252, %dma_start3A_253] : memref<10000x128xf32, #tpu.memory_space<hbm>> -> memref<10000x128xf32, #tpu.memory_space<hbm>>
      tpu.enqueue_indirect_dma source(%dma_start3A_254 : memref<10000x128xf32, #tpu.memory_space<hbm>>) target(%arg16 : memref<16x128xf32, #tpu.memory_space<vmem>>) offsets(%arg12 : memref<16xi32, #tpu.memory_space<vmem>>) semaphore(%arg18 : memref<!tpu.dma_semaphore, #tpu.memory_space<semaphore_mem>>)
      %dma_wait3A_255 = arith.constant 0 : i32
      %dma_wait3A_256 = arith.constant 0 : i32
      %dma_wait3A_257 = arith.constant 0 : i32
      %dma_wait3A_258 = tpu.memref_slice %arg15[%dma_wait3A_256, %dma_wait3A_257] : memref<2x128xf32, #tpu.memory_space<vmem>> -> memref<1x128xf32, #tpu.memory_space<vmem>>
      %dma_wait3A_259 = tpu.memref_squeeze %dma_wait3A_258 : memref<1x128xf32, #tpu.memory_space<vmem>> -> memref<128xf32, #tpu.memory_space<vmem>>
      %dma_wait3A_260 = arith.constant 0 : i32
      %dma_wait3A_261 = tpu.memref_slice %arg14[%dma_wait3A_255, %dma_wait3A_260] : memref<2x128xi32, #tpu.memory_space<vmem>> -> memref<1x128xi32, #tpu.memory_space<vmem>>
      %dma_wait3A_262 = tpu.memref_squeeze %dma_wait3A_261 : memref<1x128xi32, #tpu.memory_space<vmem>> -> memref<128xi32, #tpu.memory_space<vmem>>
      %dma_wait3A_263 = arith.constant 0 : i32
      %dma_wait3A_264 = tpu.memref_slice %arg4[%dma_wait3A_263] : memref<320000xf32, #tpu.memory_space<hbm>> -> memref<320000xf32, #tpu.memory_space<hbm>>
      tpu.wait_indirect_dma semaphore(%arg18 : memref<!tpu.dma_semaphore, #tpu.memory_space<semaphore_mem>>) src(%dma_wait3A_264 : memref<320000xf32, #tpu.memory_space<hbm>>) dst(%dma_wait3A_259 : memref<128xf32, #tpu.memory_space<vmem>>)
      %dma_wait3A_265 = arith.constant 1 : i32
      %dma_wait3A_266 = arith.constant 1 : i32
      %dma_wait3A_267 = arith.constant 0 : i32
      %dma_wait3A_268 = tpu.memref_slice %arg15[%dma_wait3A_266, %dma_wait3A_267] : memref<2x128xf32, #tpu.memory_space<vmem>> -> memref<1x128xf32, #tpu.memory_space<vmem>>
      %dma_wait3A_269 = tpu.memref_squeeze %dma_wait3A_268 : memref<1x128xf32, #tpu.memory_space<vmem>> -> memref<128xf32, #tpu.memory_space<vmem>>
      %dma_wait3A_270 = arith.constant 0 : i32
      %dma_wait3A_271 = tpu.memref_slice %arg14[%dma_wait3A_265, %dma_wait3A_270] : memref<2x128xi32, #tpu.memory_space<vmem>> -> memref<1x128xi32, #tpu.memory_space<vmem>>
      %dma_wait3A_272 = tpu.memref_squeeze %dma_wait3A_271 : memref<1x128xi32, #tpu.memory_space<vmem>> -> memref<128xi32, #tpu.memory_space<vmem>>
      %dma_wait3A_273 = arith.constant 0 : i32
      %dma_wait3A_274 = tpu.memref_slice %arg4[%dma_wait3A_273] : memref<320000xf32, #tpu.memory_space<hbm>> -> memref<320000xf32, #tpu.memory_space<hbm>>
      tpu.wait_indirect_dma semaphore(%arg18 : memref<!tpu.dma_semaphore, #tpu.memory_space<semaphore_mem>>) src(%dma_wait3A_274 : memref<320000xf32, #tpu.memory_space<hbm>>) dst(%dma_wait3A_269 : memref<128xf32, #tpu.memory_space<vmem>>)
      %dma_wait3A_275 = arith.constant 0 : i32
      %dma_wait3A_276 = arith.constant 0 : i32
      %dma_wait3A_277 = tpu.memref_slice %arg3[%dma_wait3A_275, %dma_wait3A_276] : memref<10000x128xf32, #tpu.memory_space<hbm>> -> memref<10000x128xf32, #tpu.memory_space<hbm>>
      tpu.wait_indirect_dma semaphore(%arg18 : memref<!tpu.dma_semaphore, #tpu.memory_space<semaphore_mem>>) src(%dma_wait3A_277 : memref<10000x128xf32, #tpu.memory_space<hbm>>) dst(%arg16 : memref<16x128xf32, #tpu.memory_space<vmem>>)
      %broadcast_in_dim3A_278 = arith.constant 1.000000e+00 : f32
      %broadcast_in_dim3A_279 = vector.broadcast %broadcast_in_dim3A_278 : f32 to vector<16xf32>
      %get3A_280 = arith.constant 0 : i32
      %get3A_281 = arith.index_cast %get3A_280 : i32 to index
      %get3A_282 = arith.constant 0 : index
      %get3A_283 = tpu.vector_load %arg15[%get3A_281, %get3A_282] {strides = array<i32>} : memref<2x128xf32, #tpu.memory_space<vmem>>, vector<16xf32>,
      %add3A_284 = arith.addf %broadcast_in_dim3A_279, %get3A_283 : vector<16xf32>
      %get3A_285 = arith.constant 0 : i32
      %get3A_286 = arith.index_cast %get3A_285 : i32 to index
      %get3A_287 = arith.constant 16 : index
      %get3A_288 = tpu.vector_load %arg15[%get3A_286, %get3A_287] {strides = array<i32>} : memref<2x128xf32, #tpu.memory_space<vmem>>, vector<16xf32>,
      %add3A_289 = arith.addf %add3A_284, %get3A_288 : vector<16xf32>
      %get3A_290 = arith.constant 0 : i32
      %get3A_291 = arith.index_cast %get3A_290 : i32 to index
      %get3A_292 = arith.constant 32 : index
      %get3A_293 = tpu.vector_load %arg15[%get3A_291, %get3A_292] {strides = array<i32>} : memref<2x128xf32, #tpu.memory_space<vmem>>, vector<16xf32>,
      %add3A_294 = arith.addf %add3A_289, %get3A_293 : vector<16xf32>
      %get3A_295 = arith.constant 0 : i32
      %get3A_296 = arith.index_cast %get3A_295 : i32 to index
      %get3A_297 = arith.constant 48 : index
      %get3A_298 = tpu.vector_load %arg15[%get3A_296, %get3A_297] {strides = array<i32>} : memref<2x128xf32, #tpu.memory_space<vmem>>, vector<16xf32>,
      %add3A_299 = arith.addf %add3A_294, %get3A_298 : vector<16xf32>
      %get3A_300 = arith.constant 0 : i32
      %get3A_301 = arith.index_cast %get3A_300 : i32 to index
      %get3A_302 = arith.constant 64 : index
      %get3A_303 = tpu.vector_load %arg15[%get3A_301, %get3A_302] {strides = array<i32>} : memref<2x128xf32, #tpu.memory_space<vmem>>, vector<16xf32>,
      %add3A_304 = arith.addf %add3A_299, %get3A_303 : vector<16xf32>
      %get3A_305 = arith.constant 0 : i32
      %get3A_306 = arith.index_cast %get3A_305 : i32 to index
      %get3A_307 = arith.constant 80 : index
      %get3A_308 = tpu.vector_load %arg15[%get3A_306, %get3A_307] {strides = array<i32>} : memref<2x128xf32, #tpu.memory_space<vmem>>, vector<16xf32>,
      %add3A_309 = arith.addf %add3A_304, %get3A_308 : vector<16xf32>
      %get3A_310 = arith.constant 0 : i32
      %get3A_311 = arith.index_cast %get3A_310 : i32 to index
      %get3A_312 = arith.constant 96 : index
      %get3A_313 = tpu.vector_load %arg15[%get3A_311, %get3A_312] {strides = array<i32>} : memref<2x128xf32, #tpu.memory_space<vmem>>, vector<16xf32>,
      %add3A_314 = arith.addf %add3A_309, %get3A_313 : vector<16xf32>
      %get3A_315 = arith.constant 0 : i32
      %get3A_316 = arith.index_cast %get3A_315 : i32 to index
      %get3A_317 = arith.constant 112 : index
      %get3A_318 = tpu.vector_load %arg15[%get3A_316, %get3A_317] {strides = array<i32>} : memref<2x128xf32, #tpu.memory_space<vmem>>, vector<16xf32>,
      %add3A_319 = arith.addf %add3A_314, %get3A_318 : vector<16xf32>
      %get3A_320 = arith.constant 1 : i32
      %get3A_321 = arith.index_cast %get3A_320 : i32 to index
      %get3A_322 = arith.constant 0 : index
      %get3A_323 = tpu.vector_load %arg15[%get3A_321, %get3A_322] {strides = array<i32>} : memref<2x128xf32, #tpu.memory_space<vmem>>, vector<16xf32>,
      %add3A_324 = arith.addf %add3A_319, %get3A_323 : vector<16xf32>
      %get3A_325 = arith.constant 1 : i32
      %get3A_326 = arith.index_cast %get3A_325 : i32 to index
      %get3A_327 = arith.constant 16 : index
      %get3A_328 = tpu.vector_load %arg15[%get3A_326, %get3A_327] {strides = array<i32>} : memref<2x128xf32, #tpu.memory_space<vmem>>, vector<16xf32>,
      %add3A_329 = arith.addf %add3A_324, %get3A_328 : vector<16xf32>
      %get3A_330 = arith.constant 1 : i32
      %get3A_331 = arith.index_cast %get3A_330 : i32 to index
      %get3A_332 = arith.constant 32 : index
      %get3A_333 = tpu.vector_load %arg15[%get3A_331, %get3A_332] {strides = array<i32>} : memref<2x128xf32, #tpu.memory_space<vmem>>, vector<16xf32>,
      %add3A_334 = arith.addf %add3A_329, %get3A_333 : vector<16xf32>
      %get3A_335 = arith.constant 1 : i32
      %get3A_336 = arith.index_cast %get3A_335 : i32 to index
      %get3A_337 = arith.constant 48 : index
      %get3A_338 = tpu.vector_load %arg15[%get3A_336, %get3A_337] {strides = array<i32>} : memref<2x128xf32, #tpu.memory_space<vmem>>, vector<16xf32>,
      %add3A_339 = arith.addf %add3A_334, %get3A_338 : vector<16xf32>
      %get3A_340 = arith.constant 1 : i32
      %get3A_341 = arith.index_cast %get3A_340 : i32 to index
      %get3A_342 = arith.constant 64 : index
      %get3A_343 = tpu.vector_load %arg15[%get3A_341, %get3A_342] {strides = array<i32>} : memref<2x128xf32, #tpu.memory_space<vmem>>, vector<16xf32>,
      %add3A_344 = arith.addf %add3A_339, %get3A_343 : vector<16xf32>
      %get3A_345 = arith.constant 1 : i32
      %get3A_346 = arith.index_cast %get3A_345 : i32 to index
      %get3A_347 = arith.constant 80 : index
      %get3A_348 = tpu.vector_load %arg15[%get3A_346, %get3A_347] {strides = array<i32>} : memref<2x128xf32, #tpu.memory_space<vmem>>, vector<16xf32>,
      %add3A_349 = arith.addf %add3A_344, %get3A_348 : vector<16xf32>
      %get3A_350 = arith.constant 1 : i32
      %get3A_351 = arith.index_cast %get3A_350 : i32 to index
      %get3A_352 = arith.constant 96 : index
      %get3A_353 = tpu.vector_load %arg15[%get3A_351, %get3A_352] {strides = array<i32>} : memref<2x128xf32, #tpu.memory_space<vmem>>, vector<16xf32>,
      %add3A_354 = arith.addf %add3A_349, %get3A_353 : vector<16xf32>
      %get3A_355 = arith.constant 1 : i32
      %get3A_356 = arith.index_cast %get3A_355 : i32 to index
      %get3A_357 = arith.constant 112 : index
      %get3A_358 = tpu.vector_load %arg15[%get3A_356, %get3A_357] {strides = array<i32>} : memref<2x128xf32, #tpu.memory_space<vmem>>, vector<16xf32>,
      %add3A_359 = arith.addf %add3A_354, %get3A_358 : vector<16xf32>
      %bitcast3A = vector.bitcast %add3A_359 : vector<16xf32> to vector<16xi32>
      %shift_right_arithmetic3A_360 = arith.constant 1 : i32
      %shift_right_arithmetic3A_361 = vector.broadcast %shift_right_arithmetic3A_360 : i32 to vector<16xi32>
      %shift_right_arithmetic3A_362 = arith.shrsi %bitcast3A, %shift_right_arithmetic3A_361 : vector<16xi32>
      %sub3A_363 = arith.constant 1597463007 : i32
      %sub3A_364 = vector.broadcast %sub3A_363 : i32 to vector<16xi32>
      %sub3A_365 = arith.subi %sub3A_364, %shift_right_arithmetic3A_362 : vector<16xi32>
      %bitcast3A_366 = vector.bitcast %sub3A_365 : vector<16xi32> to vector<16xf32>
      %mul3A_367 = arith.constant 5.000000e-01 : f32
      %mul3A_368 = vector.broadcast %mul3A_367 : f32 to vector<16xf32>
      %mul3A_369 = arith.mulf %mul3A_368, %add3A_359 : vector<16xf32>
      %mul3A_370 = arith.mulf %mul3A_369, %bitcast3A_366 : vector<16xf32>
      %mul3A_371 = arith.mulf %mul3A_370, %bitcast3A_366 : vector<16xf32>
      %sub3A_372 = arith.constant 1.500000e+00 : f32
      %sub3A_373 = vector.broadcast %sub3A_372 : f32 to vector<16xf32>
      %sub3A_374 = arith.subf %sub3A_373, %mul3A_371 : vector<16xf32>
      %mul3A_375 = arith.mulf %bitcast3A_366, %sub3A_374 : vector<16xf32>
      %mul3A_376 = arith.constant 5.000000e-01 : f32
      %mul3A_377 = vector.broadcast %mul3A_376 : f32 to vector<16xf32>
      %mul3A_378 = arith.mulf %mul3A_377, %add3A_359 : vector<16xf32>
      %mul3A_379 = arith.mulf %mul3A_378, %mul3A_375 : vector<16xf32>
      %mul3A_380 = arith.mulf %mul3A_379, %mul3A_375 : vector<16xf32>
      %sub3A_381 = arith.constant 1.500000e+00 : f32
      %sub3A_382 = vector.broadcast %sub3A_381 : f32 to vector<16xf32>
      %sub3A_383 = arith.subf %sub3A_382, %mul3A_380 : vector<16xf32>
      %mul3A_384 = arith.mulf %mul3A_375, %sub3A_383 : vector<16xf32>
      %mul3A_385 = arith.constant 5.000000e-01 : f32
      %mul3A_386 = vector.broadcast %mul3A_385 : f32 to vector<16xf32>
      %mul3A_387 = arith.mulf %mul3A_386, %add3A_359 : vector<16xf32>
      %mul3A_388 = arith.mulf %mul3A_387, %mul3A_384 : vector<16xf32>
      %mul3A_389 = arith.mulf %mul3A_388, %mul3A_384 : vector<16xf32>
      %sub3A_390 = arith.constant 1.500000e+00 : f32
      %sub3A_391 = vector.broadcast %sub3A_390 : f32 to vector<16xf32>
      %sub3A_392 = arith.subf %sub3A_391, %mul3A_389 : vector<16xf32>
      %mul3A_393 = arith.mulf %mul3A_384, %sub3A_392 : vector<16xf32>
      %mul3A_394 = arith.constant 16 : i32
      %mul3A_395 = arith.muli %while3A_64, %mul3A_394 : i32
      %sub3A_396 = arith.subi %reduce_max3A_33, %mul3A_395 : i32
      %lt3A = vector.broadcast %sub3A_396 : i32 to vector<16xi32>
      %lt3A_397 = arith.cmpi slt, %iota3A, %lt3A : vector<16xi32>
      %get3A_398 = arith.constant 0 : index
      %get3A_399 = tpu.vector_load %arg13[%get3A_398] {strides = array<i32>} : memref<16xi32, #tpu.memory_space<vmem>>, vector<16xi32>,
      %jit3A = arith.constant 16 : i32
      %broadcast_in_dim3A_400 = vector.broadcast %jit3A : i32 to vector<16xi32>
      %select_n3A = arith.select %lt3A_397, %get3A_399, %broadcast_in_dim3A_400 : vector<16xi1>, vector<16xi32>
      %parallel_loop3A_401 = arith.constant 0 : i32
      %parallel_loop3A_402 = arith.constant 128 : i32
      %parallel_loop3A_403 = arith.constant 1 : i32
      scf.for %parallel_loop3A_404 = %parallel_loop3A_401 to %parallel_loop3A_402 step %parallel_loop3A_403  : i32 {
        %parallel_loop3A_405 = arith.constant 0 : i32
        %parallel_loop3A_406 = vector.broadcast %parallel_loop3A_405 : i32 to vector<16xi32>
        %parallel_loop3A_407 = vector.broadcast %parallel_loop3A_404 : i32 to vector<16xi32>
        %parallel_loop3A_408 = arith.addi %parallel_loop3A_406, %parallel_loop3A_407 : vector<16xi32>
        %parallel_loop3A_409 = tpu.vector_load_idx %arg16[%iota3A, %parallel_loop3A_408] : memref<16x128xf32, #tpu.memory_space<vmem>>[vector<16xi32>, vector<16xi32>], vector<16xf32>,
        %parallel_loop3A_410 = arith.constant 128 : i32
        %parallel_loop3A_411 = vector.broadcast %parallel_loop3A_410 : i32 to vector<16xi32>
        %parallel_loop3A_412 = arith.muli %select_n3A, %parallel_loop3A_411 : vector<16xi32>
        %parallel_loop3A_413 = arith.addi %parallel_loop3A_412, %parallel_loop3A_408 : vector<16xi32>
        %parallel_loop3A_414 = arith.mulf %parallel_loop3A_409, %mul3A_393 : vector<16xf32>
        tpu.vector_store_idx %arg17[%parallel_loop3A_413], %parallel_loop3A_414 masked %lt3A_397 {add = true} : memref<2176xf32, #tpu.memory_space<vmem>>[vector<16xi32>], vector<16xf32>, vector<16xi1>
      } {sc.loop_unroll_factor = 8 : i64, sc.parallel_access}
    }
    %while3A_59 = arith.constant 1 : i32
    scf.for %while3A_64 = %while3A_57 to %while3A_53 step %while3A_59  : i32 {
      %mul3A_65 = arith.constant 16 : i32
      %mul3A_66 = arith.muli %while3A_64, %mul3A_65 : i32
      %get3A_67 = arith.index_cast %mul3A_66 : i32 to index
      %get3A_68 = tpu.vector_load %arg9[%get3A_67] {strides = array<i32>} : memref<20032xi32, #tpu.memory_space<vmem>>, vector<16xi32>,
      %add3A_69 = arith.constant 320000 : i32
      %add3A_70 = vector.broadcast %add3A_69 : i32 to vector<16xi32>
      %add3A_71 = arith.addi %get3A_68, %add3A_70 : vector<16xi32>
      %swap3A_72 = arith.constant 0 : index
      %swap3A_73 = tpu.vector_load %arg11[%swap3A_72] {strides = array<i32>} : memref<16xi32, #tpu.memory_space<vmem>>, vector<16xi32>,
      tpu.vector_store %arg11[%swap3A_72], %add3A_71 {strides = array<i32>} : memref<16xi32, #tpu.memory_space<vmem>>, vector<16xi32>,
      %mul3A_74 = arith.constant 16 : i32
      %mul3A_75 = arith.muli %while3A_64, %mul3A_74 : i32
      %dma_start3A_76 = tpu.memref_slice %arg9[%mul3A_75] : memref<20032xi32, #tpu.memory_space<vmem>> -> memref<16xi32, #tpu.memory_space<vmem>>
      %dma_start3A_77 = arith.constant 0 : i32
      %dma_start3A_78 = tpu.memref_slice %arg2[%dma_start3A_77] : memref<640000xi32, #tpu.memory_space<hbm>> -> memref<640000xi32, #tpu.memory_space<hbm>>
      tpu.enqueue_indirect_dma source(%dma_start3A_78 : memref<640000xi32, #tpu.memory_space<hbm>>) target(%arg12 : memref<16xi32, #tpu.memory_space<vmem>>) offsets(%dma_start3A_76 : memref<16xi32, #tpu.memory_space<vmem>>) semaphore(%arg18 : memref<!tpu.dma_semaphore, #tpu.memory_space<semaphore_mem>>)
      %dma_start3A_79 = arith.constant 0 : i32
      %dma_start3A_80 = tpu.memref_slice %arg2[%dma_start3A_79] : memref<640000xi32, #tpu.memory_space<hbm>> -> memref<640000xi32, #tpu.memory_space<hbm>>
      tpu.enqueue_indirect_dma source(%dma_start3A_80 : memref<640000xi32, #tpu.memory_space<hbm>>) target(%arg13 : memref<16xi32, #tpu.memory_space<vmem>>) offsets(%arg11 : memref<16xi32, #tpu.memory_space<vmem>>) semaphore(%arg18 : memref<!tpu.dma_semaphore, #tpu.memory_space<semaphore_mem>>)
      %dma_wait3A_81 = tpu.memref_slice %arg9[%mul3A_75] : memref<20032xi32, #tpu.memory_space<vmem>> -> memref<16xi32, #tpu.memory_space<vmem>>
      %dma_wait3A_82 = arith.constant 0 : i32
      %dma_wait3A_83 = tpu.memref_slice %arg2[%dma_wait3A_82] : memref<640000xi32, #tpu.memory_space<hbm>> -> memref<640000xi32, #tpu.memory_space<hbm>>
      tpu.wait_indirect_dma semaphore(%arg18 : memref<!tpu.dma_semaphore, #tpu.memory_space<semaphore_mem>>) src(%dma_wait3A_83 : memref<640000xi32, #tpu.memory_space<hbm>>) dst(%arg12 : memref<16xi32, #tpu.memory_space<vmem>>)
      %dma_wait3A_84 = arith.constant 0 : i32
      %dma_wait3A_85 = tpu.memref_slice %arg2[%dma_wait3A_84] : memref<640000xi32, #tpu.memory_space<hbm>> -> memref<640000xi32, #tpu.memory_space<hbm>>
      tpu.wait_indirect_dma semaphore(%arg18 : memref<!tpu.dma_semaphore, #tpu.memory_space<semaphore_mem>>) src(%dma_wait3A_85 : memref<640000xi32, #tpu.memory_space<hbm>>) dst(%arg13 : memref<16xi32, #tpu.memory_space<vmem>>)
      %get3A_86 = arith.constant 0 : index
      %get3A_87 = tpu.vector_load %arg12[%get3A_86] {strides = array<i32>} : memref<16xi32, #tpu.memory_space<vmem>>, vector<16xi32>,
      %add3A_88 = vector.broadcast %mul3A_50 : i32 to vector<16xi32>
      %add3A_89 = arith.addi %get3A_87, %add3A_88 : vector<16xi32>
      %add3A_90 = arith.constant 0 : i32
      %add3A_91 = vector.broadcast %add3A_90 : i32 to vector<16xi32>
      %add3A_92 = arith.addi %add3A_89, %add3A_91 : vector<16xi32>
      %swap3A_93 = arith.constant 0 : i32
      %swap3A_94 = arith.index_cast %swap3A_93 : i32 to index
      %swap3A_95 = arith.constant 0 : index
      %swap3A_96 = tpu.vector_load %arg14[%swap3A_94, %swap3A_95] {strides = array<i32>} : memref<2x128xi32, #tpu.memory_space<vmem>>, vector<16xi32>,
      tpu.vector_store %arg14[%swap3A_94, %swap3A_95], %add3A_92 {strides = array<i32>} : memref<2x128xi32, #tpu.memory_space<vmem>>, vector<16xi32>,
      %add3A_97 = vector.broadcast %mul3A_50 : i32 to vector<16xi32>
      %add3A_98 = arith.addi %get3A_87, %add3A_97 : vector<16xi32>
      %add3A_99 = arith.constant 10000 : i32
      %add3A_100 = vector.broadcast %add3A_99 : i32 to vector<16xi32>
      %add3A_101 = arith.addi %add3A_98, %add3A_100 : vector<16xi32>
      %swap3A_102 = arith.constant 0 : i32
      %swap3A_103 = arith.index_cast %swap3A_102 : i32 to index
      %swap3A_104 = arith.constant 16 : index
      %swap3A_105 = tpu.vector_load %arg14[%swap3A_103, %swap3A_104] {strides = array<i32>} : memref<2x128xi32, #tpu.memory_space<vmem>>, vector<16xi32>,
      tpu.vector_store %arg14[%swap3A_103, %swap3A_104], %add3A_101 {strides = array<i32>} : memref<2x128xi32, #tpu.memory_space<vmem>>, vector<16xi32>,
      %add3A_106 = vector.broadcast %mul3A_50 : i32 to vector<16xi32>
      %add3A_107 = arith.addi %get3A_87, %add3A_106 : vector<16xi32>
      %add3A_108 = arith.constant 20000 : i32
      %add3A_109 = vector.broadcast %add3A_108 : i32 to vector<16xi32>
      %add3A_110 = arith.addi %add3A_107, %add3A_109 : vector<16xi32>
      %swap3A_111 = arith.constant 0 : i32
      %swap3A_112 = arith.index_cast %swap3A_111 : i32 to index
      %swap3A_113 = arith.constant 32 : index
      %swap3A_114 = tpu.vector_load %arg14[%swap3A_112, %swap3A_113] {strides = array<i32>} : memref<2x128xi32, #tpu.memory_space<vmem>>, vector<16xi32>,
      tpu.vector_store %arg14[%swap3A_112, %swap3A_113], %add3A_110 {strides = array<i32>} : memref<2x128xi32, #tpu.memory_space<vmem>>, vector<16xi32>,
      %add3A_115 = vector.broadcast %mul3A_50 : i32 to vector<16xi32>
      %add3A_116 = arith.addi %get3A_87, %add3A_115 : vector<16xi32>
      %add3A_117 = arith.constant 30000 : i32
      %add3A_118 = vector.broadcast %add3A_117 : i32 to vector<16xi32>
      %add3A_119 = arith.addi %add3A_116, %add3A_118 : vector<16xi32>
      %swap3A_120 = arith.constant 0 : i32
      %swap3A_121 = arith.index_cast %swap3A_120 : i32 to index
      %swap3A_122 = arith.constant 48 : index
      %swap3A_123 = tpu.vector_load %arg14[%swap3A_121, %swap3A_122] {strides = array<i32>} : memref<2x128xi32, #tpu.memory_space<vmem>>, vector<16xi32>,
      tpu.vector_store %arg14[%swap3A_121, %swap3A_122], %add3A_119 {strides = array<i32>} : memref<2x128xi32, #tpu.memory_space<vmem>>, vector<16xi32>,
      %add3A_124 = vector.broadcast %mul3A_50 : i32 to vector<16xi32>
      %add3A_125 = arith.addi %get3A_87, %add3A_124 : vector<16xi32>
      %add3A_126 = arith.constant 40000 : i32
      %add3A_127 = vector.broadcast %add3A_126 : i32 to vector<16xi32>
      %add3A_128 = arith.addi %add3A_125, %add3A_127 : vector<16xi32>
      %swap3A_129 = arith.constant 0 : i32
      %swap3A_130 = arith.index_cast %swap3A_129 : i32 to index
      %swap3A_131 = arith.constant 64 : index
      %swap3A_132 = tpu.vector_load %arg14[%swap3A_130, %swap3A_131] {strides = array<i32>} : memref<2x128xi32, #tpu.memory_space<vmem>>, vector<16xi32>,
      tpu.vector_store %arg14[%swap3A_130, %swap3A_131], %add3A_128 {strides = array<i32>} : memref<2x128xi32, #tpu.memory_space<vmem>>, vector<16xi32>,
      %add3A_133 = vector.broadcast %mul3A_50 : i32 to vector<16xi32>
      %add3A_134 = arith.addi %get3A_87, %add3A_133 : vector<16xi32>
      %add3A_135 = arith.constant 50000 : i32
      %add3A_136 = vector.broadcast %add3A_135 : i32 to vector<16xi32>
      %add3A_137 = arith.addi %add3A_134, %add3A_136 : vector<16xi32>
      %swap3A_138 = arith.constant 0 : i32
      %swap3A_139 = arith.index_cast %swap3A_138 : i32 to index
      %swap3A_140 = arith.constant 80 : index
      %swap3A_141 = tpu.vector_load %arg14[%swap3A_139, %swap3A_140] {strides = array<i32>} : memref<2x128xi32, #tpu.memory_space<vmem>>, vector<16xi32>,
      tpu.vector_store %arg14[%swap3A_139, %swap3A_140], %add3A_137 {strides = array<i32>} : memref<2x128xi32, #tpu.memory_space<vmem>>, vector<16xi32>,
      %add3A_142 = vector.broadcast %mul3A_50 : i32 to vector<16xi32>
      %add3A_143 = arith.addi %get3A_87, %add3A_142 : vector<16xi32>
      %add3A_144 = arith.constant 60000 : i32
      %add3A_145 = vector.broadcast %add3A_144 : i32 to vector<16xi32>
      %add3A_146 = arith.addi %add3A_143, %add3A_145 : vector<16xi32>
      %swap3A_147 = arith.constant 0 : i32
      %swap3A_148 = arith.index_cast %swap3A_147 : i32 to index
      %swap3A_149 = arith.constant 96 : index
      %swap3A_150 = tpu.vector_load %arg14[%swap3A_148, %swap3A_149] {strides = array<i32>} : memref<2x128xi32, #tpu.memory_space<vmem>>, vector<16xi32>,
      tpu.vector_store %arg14[%swap3A_148, %swap3A_149], %add3A_146 {strides = array<i32>} : memref<2x128xi32, #tpu.memory_space<vmem>>, vector<16xi32>,
      %add3A_151 = vector.broadcast %mul3A_50 : i32 to vector<16xi32>
      %add3A_152 = arith.addi %get3A_87, %add3A_151 : vector<16xi32>
      %add3A_153 = arith.constant 70000 : i32
      %add3A_154 = vector.broadcast %add3A_153 : i32 to vector<16xi32>
      %add3A_155 = arith.addi %add3A_152, %add3A_154 : vector<16xi32>
      %swap3A_156 = arith.constant 0 : i32
      %swap3A_157 = arith.index_cast %swap3A_156 : i32 to index
      %swap3A_158 = arith.constant 112 : index
      %swap3A_159 = tpu.vector_load %arg14[%swap3A_157, %swap3A_158] {strides = array<i32>} : memref<2x128xi32, #tpu.memory_space<vmem>>, vector<16xi32>,
      tpu.vector_store %arg14[%swap3A_157, %swap3A_158], %add3A_155 {strides = array<i32>} : memref<2x128xi32, #tpu.memory_space<vmem>>, vector<16xi32>,
      %add3A_160 = vector.broadcast %mul3A_50 : i32 to vector<16xi32>
      %add3A_161 = arith.addi %get3A_87, %add3A_160 : vector<16xi32>
      %add3A_162 = arith.constant 80000 : i32
      %add3A_163 = vector.broadcast %add3A_162 : i32 to vector<16xi32>
      %add3A_164 = arith.addi %add3A_161, %add3A_163 : vector<16xi32>
      %swap3A_165 = arith.constant 1 : i32
      %swap3A_166 = arith.index_cast %swap3A_165 : i32 to index
      %swap3A_167 = arith.constant 0 : index
      %swap3A_168 = tpu.vector_load %arg14[%swap3A_166, %swap3A_167] {strides = array<i32>} : memref<2x128xi32, #tpu.memory_space<vmem>>, vector<16xi32>,
      tpu.vector_store %arg14[%swap3A_166, %swap3A_167], %add3A_164 {strides = array<i32>} : memref<2x128xi32, #tpu.memory_space<vmem>>, vector<16xi32>,
      %add3A_169 = vector.broadcast %mul3A_50 : i32 to vector<16xi32>
      %add3A_170 = arith.addi %get3A_87, %add3A_169 : vector<16xi32>
      %add3A_171 = arith.constant 90000 : i32
      %add3A_172 = vector.broadcast %add3A_171 : i32 to vector<16xi32>
      %add3A_173 = arith.addi %add3A_170, %add3A_172 : vector<16xi32>
      %swap3A_174 = arith.constant 1 : i32
      %swap3A_175 = arith.index_cast %swap3A_174 : i32 to index
      %swap3A_176 = arith.constant 16 : index
      %swap3A_177 = tpu.vector_load %arg14[%swap3A_175, %swap3A_176] {strides = array<i32>} : memref<2x128xi32, #tpu.memory_space<vmem>>, vector<16xi32>,
      tpu.vector_store %arg14[%swap3A_175, %swap3A_176], %add3A_173 {strides = array<i32>} : memref<2x128xi32, #tpu.memory_space<vmem>>, vector<16xi32>,
      %add3A_178 = vector.broadcast %mul3A_50 : i32 to vector<16xi32>
      %add3A_179 = arith.addi %get3A_87, %add3A_178 : vector<16xi32>
      %add3A_180 = arith.constant 100000 : i32
      %add3A_181 = vector.broadcast %add3A_180 : i32 to vector<16xi32>
      %add3A_182 = arith.addi %add3A_179, %add3A_181 : vector<16xi32>
      %swap3A_183 = arith.constant 1 : i32
      %swap3A_184 = arith.index_cast %swap3A_183 : i32 to index
      %swap3A_185 = arith.constant 32 : index
      %swap3A_186 = tpu.vector_load %arg14[%swap3A_184, %swap3A_185] {strides = array<i32>} : memref<2x128xi32, #tpu.memory_space<vmem>>, vector<16xi32>,
      tpu.vector_store %arg14[%swap3A_184, %swap3A_185], %add3A_182 {strides = array<i32>} : memref<2x128xi32, #tpu.memory_space<vmem>>, vector<16xi32>,
      %add3A_187 = vector.broadcast %mul3A_50 : i32 to vector<16xi32>
      %add3A_188 = arith.addi %get3A_87, %add3A_187 : vector<16xi32>
      %add3A_189 = arith.constant 110000 : i32
      %add3A_190 = vector.broadcast %add3A_189 : i32 to vector<16xi32>
      %add3A_191 = arith.addi %add3A_188, %add3A_190 : vector<16xi32>
      %swap3A_192 = arith.constant 1 : i32
      %swap3A_193 = arith.index_cast %swap3A_192 : i32 to index
      %swap3A_194 = arith.constant 48 : index
      %swap3A_195 = tpu.vector_load %arg14[%swap3A_193, %swap3A_194] {strides = array<i32>} : memref<2x128xi32, #tpu.memory_space<vmem>>, vector<16xi32>,
      tpu.vector_store %arg14[%swap3A_193, %swap3A_194], %add3A_191 {strides = array<i32>} : memref<2x128xi32, #tpu.memory_space<vmem>>, vector<16xi32>,
      %add3A_196 = vector.broadcast %mul3A_50 : i32 to vector<16xi32>
      %add3A_197 = arith.addi %get3A_87, %add3A_196 : vector<16xi32>
      %add3A_198 = arith.constant 120000 : i32
      %add3A_199 = vector.broadcast %add3A_198 : i32 to vector<16xi32>
      %add3A_200 = arith.addi %add3A_197, %add3A_199 : vector<16xi32>
      %swap3A_201 = arith.constant 1 : i32
      %swap3A_202 = arith.index_cast %swap3A_201 : i32 to index
      %swap3A_203 = arith.constant 64 : index
      %swap3A_204 = tpu.vector_load %arg14[%swap3A_202, %swap3A_203] {strides = array<i32>} : memref<2x128xi32, #tpu.memory_space<vmem>>, vector<16xi32>,
      tpu.vector_store %arg14[%swap3A_202, %swap3A_203], %add3A_200 {strides = array<i32>} : memref<2x128xi32, #tpu.memory_space<vmem>>, vector<16xi32>,
      %add3A_205 = vector.broadcast %mul3A_50 : i32 to vector<16xi32>
      %add3A_206 = arith.addi %get3A_87, %add3A_205 : vector<16xi32>
      %add3A_207 = arith.constant 130000 : i32
      %add3A_208 = vector.broadcast %add3A_207 : i32 to vector<16xi32>
      %add3A_209 = arith.addi %add3A_206, %add3A_208 : vector<16xi32>
      %swap3A_210 = arith.constant 1 : i32
      %swap3A_211 = arith.index_cast %swap3A_210 : i32 to index
      %swap3A_212 = arith.constant 80 : index
      %swap3A_213 = tpu.vector_load %arg14[%swap3A_211, %swap3A_212] {strides = array<i32>} : memref<2x128xi32, #tpu.memory_space<vmem>>, vector<16xi32>,
      tpu.vector_store %arg14[%swap3A_211, %swap3A_212], %add3A_209 {strides = array<i32>} : memref<2x128xi32, #tpu.memory_space<vmem>>, vector<16xi32>,
      %add3A_214 = vector.broadcast %mul3A_50 : i32 to vector<16xi32>
      %add3A_215 = arith.addi %get3A_87, %add3A_214 : vector<16xi32>
      %add3A_216 = arith.constant 140000 : i32
      %add3A_217 = vector.broadcast %add3A_216 : i32 to vector<16xi32>
      %add3A_218 = arith.addi %add3A_215, %add3A_217 : vector<16xi32>
      %swap3A_219 = arith.constant 1 : i32
      %swap3A_220 = arith.index_cast %swap3A_219 : i32 to index
      %swap3A_221 = arith.constant 96 : index
      %swap3A_222 = tpu.vector_load %arg14[%swap3A_220, %swap3A_221] {strides = array<i32>} : memref<2x128xi32, #tpu.memory_space<vmem>>, vector<16xi32>,
      tpu.vector_store %arg14[%swap3A_220, %swap3A_221], %add3A_218 {strides = array<i32>} : memref<2x128xi32, #tpu.memory_space<vmem>>, vector<16xi32>,
      %add3A_223 = vector.broadcast %mul3A_50 : i32 to vector<16xi32>
      %add3A_224 = arith.addi %get3A_87, %add3A_223 : vector<16xi32>
      %add3A_225 = arith.constant 150000 : i32
      %add3A_226 = vector.broadcast %add3A_225 : i32 to vector<16xi32>
      %add3A_227 = arith.addi %add3A_224, %add3A_226 : vector<16xi32>
      %swap3A_228 = arith.constant 1 : i32
      %swap3A_229 = arith.index_cast %swap3A_228 : i32 to index
      %swap3A_230 = arith.constant 112 : index
      %swap3A_231 = tpu.vector_load %arg14[%swap3A_229, %swap3A_230] {strides = array<i32>} : memref<2x128xi32, #tpu.memory_space<vmem>>, vector<16xi32>,
      tpu.vector_store %arg14[%swap3A_229, %swap3A_230], %add3A_227 {strides = array<i32>} : memref<2x128xi32, #tpu.memory_space<vmem>>, vector<16xi32>,
      %dma_start3A_232 = arith.constant 0 : i32
      %dma_start3A_233 = arith.constant 0 : i32
      %dma_start3A_234 = arith.constant 0 : i32
      %dma_start3A_235 = tpu.memref_slice %arg15[%dma_start3A_233, %dma_start3A_234] : memref<2x128xf32, #tpu.memory_space<vmem>> -> memref<1x128xf32, #tpu.memory_space<vmem>>
      %dma_start3A_236 = tpu.memref_squeeze %dma_start3A_235 : memref<1x128xf32, #tpu.memory_space<vmem>> -> memref<128xf32, #tpu.memory_space<vmem>>
      %dma_start3A_237 = arith.constant 0 : i32
      %dma_start3A_238 = tpu.memref_slice %arg14[%dma_start3A_232, %dma_start3A_237] : memref<2x128xi32, #tpu.memory_space<vmem>> -> memref<1x128xi32, #tpu.memory_space<vmem>>
      %dma_start3A_239 = tpu.memref_squeeze %dma_start3A_238 : memref<1x128xi32, #tpu.memory_space<vmem>> -> memref<128xi32, #tpu.memory_space<vmem>>
      %dma_start3A_240 = arith.constant 0 : i32
      %dma_start3A_241 = tpu.memref_slice %arg4[%dma_start3A_240] : memref<320000xf32, #tpu.memory_space<hbm>> -> memref<320000xf32, #tpu.memory_space<hbm>>
      tpu.enqueue_indirect_dma source(%dma_start3A_241 : memref<320000xf32, #tpu.memory_space<hbm>>) target(%dma_start3A_236 : memref<128xf32, #tpu.memory_space<vmem>>) offsets(%dma_start3A_239 : memref<128xi32, #tpu.memory_space<vmem>>) semaphore(%arg18 : memref<!tpu.dma_semaphore, #tpu.memory_space<semaphore_mem>>)
      %dma_start3A_242 = arith.constant 1 : i32
      %dma_start3A_243 = arith.constant 1 : i32
      %dma_start3A_244 = arith.constant 0 : i32
      %dma_start3A_245 = tpu.memref_slice %arg15[%dma_start3A_243, %dma_start3A_244] : memref<2x128xf32, #tpu.memory_space<vmem>> -> memref<1x128xf32, #tpu.memory_space<vmem>>
      %dma_start3A_246 = tpu.memref_squeeze %dma_start3A_245 : memref<1x128xf32, #tpu.memory_space<vmem>> -> memref<128xf32, #tpu.memory_space<vmem>>
      %dma_start3A_247 = arith.constant 0 : i32
      %dma_start3A_248 = tpu.memref_slice %arg14[%dma_start3A_242, %dma_start3A_247] : memref<2x128xi32, #tpu.memory_space<vmem>> -> memref<1x128xi32, #tpu.memory_space<vmem>>
      %dma_start3A_249 = tpu.memref_squeeze %dma_start3A_248 : memref<1x128xi32, #tpu.memory_space<vmem>> -> memref<128xi32, #tpu.memory_space<vmem>>
      %dma_start3A_250 = arith.constant 0 : i32
      %dma_start3A_251 = tpu.memref_slice %arg4[%dma_start3A_250] : memref<320000xf32, #tpu.memory_space<hbm>> -> memref<320000xf32, #tpu.memory_space<hbm>>
      tpu.enqueue_indirect_dma source(%dma_start3A_251 : memref<320000xf32, #tpu.memory_space<hbm>>) target(%dma_start3A_246 : memref<128xf32, #tpu.memory_space<vmem>>) offsets(%dma_start3A_249 : memref<128xi32, #tpu.memory_space<vmem>>) semaphore(%arg18 : memref<!tpu.dma_semaphore, #tpu.memory_space<semaphore_mem>>)
      %dma_start3A_252 = arith.constant 0 : i32
      %dma_start3A_253 = arith.constant 0 : i32
      %dma_start3A_254 = tpu.memref_slice %arg3[%dma_start3A_252, %dma_start3A_253] : memref<10000x128xf32, #tpu.memory_space<hbm>> -> memref<10000x128xf32, #tpu.memory_space<hbm>>
      tpu.enqueue_indirect_dma source(%dma_start3A_254 : memref<10000x128xf32, #tpu.memory_space<hbm>>) target(%arg16 : memref<16x128xf32, #tpu.memory_space<vmem>>) offsets(%arg12 : memref<16xi32, #tpu.memory_space<vmem>>) semaphore(%arg18 : memref<!tpu.dma_semaphore, #tpu.memory_space<semaphore_mem>>)
      %dma_wait3A_255 = arith.constant 0 : i32
      %dma_wait3A_256 = arith.constant 0 : i32
      %dma_wait3A_257 = arith.constant 0 : i32
      %dma_wait3A_258 = tpu.memref_slice %arg15[%dma_wait3A_256, %dma_wait3A_257] : memref<2x128xf32, #tpu.memory_space<vmem>> -> memref<1x128xf32, #tpu.memory_space<vmem>>
      %dma_wait3A_259 = tpu.memref_squeeze %dma_wait3A_258 : memref<1x128xf32, #tpu.memory_space<vmem>> -> memref<128xf32, #tpu.memory_space<vmem>>
      %dma_wait3A_260 = arith.constant 0 : i32
      %dma_wait3A_261 = tpu.memref_slice %arg14[%dma_wait3A_255, %dma_wait3A_260] : memref<2x128xi32, #tpu.memory_space<vmem>> -> memref<1x128xi32, #tpu.memory_space<vmem>>
      %dma_wait3A_262 = tpu.memref_squeeze %dma_wait3A_261 : memref<1x128xi32, #tpu.memory_space<vmem>> -> memref<128xi32, #tpu.memory_space<vmem>>
      %dma_wait3A_263 = arith.constant 0 : i32
      %dma_wait3A_264 = tpu.memref_slice %arg4[%dma_wait3A_263] : memref<320000xf32, #tpu.memory_space<hbm>> -> memref<320000xf32, #tpu.memory_space<hbm>>
      tpu.wait_indirect_dma semaphore(%arg18 : memref<!tpu.dma_semaphore, #tpu.memory_space<semaphore_mem>>) src(%dma_wait3A_264 : memref<320000xf32, #tpu.memory_space<hbm>>) dst(%dma_wait3A_259 : memref<128xf32, #tpu.memory_space<vmem>>)
      %dma_wait3A_265 = arith.constant 1 : i32
      %dma_wait3A_266 = arith.constant 1 : i32
      %dma_wait3A_267 = arith.constant 0 : i32
      %dma_wait3A_268 = tpu.memref_slice %arg15[%dma_wait3A_266, %dma_wait3A_267] : memref<2x128xf32, #tpu.memory_space<vmem>> -> memref<1x128xf32, #tpu.memory_space<vmem>>
      %dma_wait3A_269 = tpu.memref_squeeze %dma_wait3A_268 : memref<1x128xf32, #tpu.memory_space<vmem>> -> memref<128xf32, #tpu.memory_space<vmem>>
      %dma_wait3A_270 = arith.constant 0 : i32
      %dma_wait3A_271 = tpu.memref_slice %arg14[%dma_wait3A_265, %dma_wait3A_270] : memref<2x128xi32, #tpu.memory_space<vmem>> -> memref<1x128xi32, #tpu.memory_space<vmem>>
      %dma_wait3A_272 = tpu.memref_squeeze %dma_wait3A_271 : memref<1x128xi32, #tpu.memory_space<vmem>> -> memref<128xi32, #tpu.memory_space<vmem>>
      %dma_wait3A_273 = arith.constant 0 : i32
      %dma_wait3A_274 = tpu.memref_slice %arg4[%dma_wait3A_273] : memref<320000xf32, #tpu.memory_space<hbm>> -> memref<320000xf32, #tpu.memory_space<hbm>>
      tpu.wait_indirect_dma semaphore(%arg18 : memref<!tpu.dma_semaphore, #tpu.memory_space<semaphore_mem>>) src(%dma_wait3A_274 : memref<320000xf32, #tpu.memory_space<hbm>>) dst(%dma_wait3A_269 : memref<128xf32, #tpu.memory_space<vmem>>)
      %dma_wait3A_275 = arith.constant 0 : i32
      %dma_wait3A_276 = arith.constant 0 : i32
      %dma_wait3A_277 = tpu.memref_slice %arg3[%dma_wait3A_275, %dma_wait3A_276] : memref<10000x128xf32, #tpu.memory_space<hbm>> -> memref<10000x128xf32, #tpu.memory_space<hbm>>
      tpu.wait_indirect_dma semaphore(%arg18 : memref<!tpu.dma_semaphore, #tpu.memory_space<semaphore_mem>>) src(%dma_wait3A_277 : memref<10000x128xf32, #tpu.memory_space<hbm>>) dst(%arg16 : memref<16x128xf32, #tpu.memory_space<vmem>>)
      %broadcast_in_dim3A_278 = arith.constant 1.000000e+00 : f32
      %broadcast_in_dim3A_279 = vector.broadcast %broadcast_in_dim3A_278 : f32 to vector<16xf32>
      %get3A_280 = arith.constant 0 : i32
      %get3A_281 = arith.index_cast %get3A_280 : i32 to index
      %get3A_282 = arith.constant 0 : index
      %get3A_283 = tpu.vector_load %arg15[%get3A_281, %get3A_282] {strides = array<i32>} : memref<2x128xf32, #tpu.memory_space<vmem>>, vector<16xf32>,
      %add3A_284 = arith.addf %broadcast_in_dim3A_279, %get3A_283 : vector<16xf32>
      %get3A_285 = arith.constant 0 : i32
      %get3A_286 = arith.index_cast %get3A_285 : i32 to index
      %get3A_287 = arith.constant 16 : index
      %get3A_288 = tpu.vector_load %arg15[%get3A_286, %get3A_287] {strides = array<i32>} : memref<2x128xf32, #tpu.memory_space<vmem>>, vector<16xf32>,
      %add3A_289 = arith.addf %add3A_284, %get3A_288 : vector<16xf32>
      %get3A_290 = arith.constant 0 : i32
      %get3A_291 = arith.index_cast %get3A_290 : i32 to index
      %get3A_292 = arith.constant 32 : index
      %get3A_293 = tpu.vector_load %arg15[%get3A_291, %get3A_292] {strides = array<i32>} : memref<2x128xf32, #tpu.memory_space<vmem>>, vector<16xf32>,
      %add3A_294 = arith.addf %add3A_289, %get3A_293 : vector<16xf32>
      %get3A_295 = arith.constant 0 : i32
      %get3A_296 = arith.index_cast %get3A_295 : i32 to index
      %get3A_297 = arith.constant 48 : index
      %get3A_298 = tpu.vector_load %arg15[%get3A_296, %get3A_297] {strides = array<i32>} : memref<2x128xf32, #tpu.memory_space<vmem>>, vector<16xf32>,
      %add3A_299 = arith.addf %add3A_294, %get3A_298 : vector<16xf32>
      %get3A_300 = arith.constant 0 : i32
      %get3A_301 = arith.index_cast %get3A_300 : i32 to index
      %get3A_302 = arith.constant 64 : index
      %get3A_303 = tpu.vector_load %arg15[%get3A_301, %get3A_302] {strides = array<i32>} : memref<2x128xf32, #tpu.memory_space<vmem>>, vector<16xf32>,
      %add3A_304 = arith.addf %add3A_299, %get3A_303 : vector<16xf32>
      %get3A_305 = arith.constant 0 : i32
      %get3A_306 = arith.index_cast %get3A_305 : i32 to index
      %get3A_307 = arith.constant 80 : index
      %get3A_308 = tpu.vector_load %arg15[%get3A_306, %get3A_307] {strides = array<i32>} : memref<2x128xf32, #tpu.memory_space<vmem>>, vector<16xf32>,
      %add3A_309 = arith.addf %add3A_304, %get3A_308 : vector<16xf32>
      %get3A_310 = arith.constant 0 : i32
      %get3A_311 = arith.index_cast %get3A_310 : i32 to index
      %get3A_312 = arith.constant 96 : index
      %get3A_313 = tpu.vector_load %arg15[%get3A_311, %get3A_312] {strides = array<i32>} : memref<2x128xf32, #tpu.memory_space<vmem>>, vector<16xf32>,
      %add3A_314 = arith.addf %add3A_309, %get3A_313 : vector<16xf32>
      %get3A_315 = arith.constant 0 : i32
      %get3A_316 = arith.index_cast %get3A_315 : i32 to index
      %get3A_317 = arith.constant 112 : index
      %get3A_318 = tpu.vector_load %arg15[%get3A_316, %get3A_317] {strides = array<i32>} : memref<2x128xf32, #tpu.memory_space<vmem>>, vector<16xf32>,
      %add3A_319 = arith.addf %add3A_314, %get3A_318 : vector<16xf32>
      %get3A_320 = arith.constant 1 : i32
      %get3A_321 = arith.index_cast %get3A_320 : i32 to index
      %get3A_322 = arith.constant 0 : index
      %get3A_323 = tpu.vector_load %arg15[%get3A_321, %get3A_322] {strides = array<i32>} : memref<2x128xf32, #tpu.memory_space<vmem>>, vector<16xf32>,
      %add3A_324 = arith.addf %add3A_319, %get3A_323 : vector<16xf32>
      %get3A_325 = arith.constant 1 : i32
      %get3A_326 = arith.index_cast %get3A_325 : i32 to index
      %get3A_327 = arith.constant 16 : index
      %get3A_328 = tpu.vector_load %arg15[%get3A_326, %get3A_327] {strides = array<i32>} : memref<2x128xf32, #tpu.memory_space<vmem>>, vector<16xf32>,
      %add3A_329 = arith.addf %add3A_324, %get3A_328 : vector<16xf32>
      %get3A_330 = arith.constant 1 : i32
      %get3A_331 = arith.index_cast %get3A_330 : i32 to index
      %get3A_332 = arith.constant 32 : index
      %get3A_333 = tpu.vector_load %arg15[%get3A_331, %get3A_332] {strides = array<i32>} : memref<2x128xf32, #tpu.memory_space<vmem>>, vector<16xf32>,
      %add3A_334 = arith.addf %add3A_329, %get3A_333 : vector<16xf32>
      %get3A_335 = arith.constant 1 : i32
      %get3A_336 = arith.index_cast %get3A_335 : i32 to index
      %get3A_337 = arith.constant 48 : index
      %get3A_338 = tpu.vector_load %arg15[%get3A_336, %get3A_337] {strides = array<i32>} : memref<2x128xf32, #tpu.memory_space<vmem>>, vector<16xf32>,
      %add3A_339 = arith.addf %add3A_334, %get3A_338 : vector<16xf32>
      %get3A_340 = arith.constant 1 : i32
      %get3A_341 = arith.index_cast %get3A_340 : i32 to index
      %get3A_342 = arith.constant 64 : index
      %get3A_343 = tpu.vector_load %arg15[%get3A_341, %get3A_342] {strides = array<i32>} : memref<2x128xf32, #tpu.memory_space<vmem>>, vector<16xf32>,
      %add3A_344 = arith.addf %add3A_339, %get3A_343 : vector<16xf32>
      %get3A_345 = arith.constant 1 : i32
      %get3A_346 = arith.index_cast %get3A_345 : i32 to index
      %get3A_347 = arith.constant 80 : index
      %get3A_348 = tpu.vector_load %arg15[%get3A_346, %get3A_347] {strides = array<i32>} : memref<2x128xf32, #tpu.memory_space<vmem>>, vector<16xf32>,
      %add3A_349 = arith.addf %add3A_344, %get3A_348 : vector<16xf32>
      %get3A_350 = arith.constant 1 : i32
      %get3A_351 = arith.index_cast %get3A_350 : i32 to index
      %get3A_352 = arith.constant 96 : index
      %get3A_353 = tpu.vector_load %arg15[%get3A_351, %get3A_352] {strides = array<i32>} : memref<2x128xf32, #tpu.memory_space<vmem>>, vector<16xf32>,
      %add3A_354 = arith.addf %add3A_349, %get3A_353 : vector<16xf32>
      %get3A_355 = arith.constant 1 : i32
      %get3A_356 = arith.index_cast %get3A_355 : i32 to index
      %get3A_357 = arith.constant 112 : index
      %get3A_358 = tpu.vector_load %arg15[%get3A_356, %get3A_357] {strides = array<i32>} : memref<2x128xf32, #tpu.memory_space<vmem>>, vector<16xf32>,
      %add3A_359 = arith.addf %add3A_354, %get3A_358 : vector<16xf32>
      %bitcast3A = vector.bitcast %add3A_359 : vector<16xf32> to vector<16xi32>
      %shift_right_arithmetic3A_360 = arith.constant 1 : i32
      %shift_right_arithmetic3A_361 = vector.broadcast %shift_right_arithmetic3A_360 : i32 to vector<16xi32>
      %shift_right_arithmetic3A_362 = arith.shrsi %bitcast3A, %shift_right_arithmetic3A_361 : vector<16xi32>
      %sub3A_363 = arith.constant 1597463007 : i32
      %sub3A_364 = vector.broadcast %sub3A_363 : i32 to vector<16xi32>
      %sub3A_365 = arith.subi %sub3A_364, %shift_right_arithmetic3A_362 : vector<16xi32>
      %bitcast3A_366 = vector.bitcast %sub3A_365 : vector<16xi32> to vector<16xf32>
      %mul3A_367 = arith.constant 5.000000e-01 : f32
      %mul3A_368 = vector.broadcast %mul3A_367 : f32 to vector<16xf32>
      %mul3A_369 = arith.mulf %mul3A_368, %add3A_359 : vector<16xf32>
      %mul3A_370 = arith.mulf %mul3A_369, %bitcast3A_366 : vector<16xf32>
      %mul3A_371 = arith.mulf %mul3A_370, %bitcast3A_366 : vector<16xf32>
      %sub3A_372 = arith.constant 1.500000e+00 : f32
      %sub3A_373 = vector.broadcast %sub3A_372 : f32 to vector<16xf32>
      %sub3A_374 = arith.subf %sub3A_373, %mul3A_371 : vector<16xf32>
      %mul3A_375 = arith.mulf %bitcast3A_366, %sub3A_374 : vector<16xf32>
      %mul3A_376 = arith.constant 5.000000e-01 : f32
      %mul3A_377 = vector.broadcast %mul3A_376 : f32 to vector<16xf32>
      %mul3A_378 = arith.mulf %mul3A_377, %add3A_359 : vector<16xf32>
      %mul3A_379 = arith.mulf %mul3A_378, %mul3A_375 : vector<16xf32>
      %mul3A_380 = arith.mulf %mul3A_379, %mul3A_375 : vector<16xf32>
      %sub3A_381 = arith.constant 1.500000e+00 : f32
      %sub3A_382 = vector.broadcast %sub3A_381 : f32 to vector<16xf32>
      %sub3A_383 = arith.subf %sub3A_382, %mul3A_380 : vector<16xf32>
      %mul3A_384 = arith.mulf %mul3A_375, %sub3A_383 : vector<16xf32>
      %mul3A_385 = arith.constant 5.000000e-01 : f32
      %mul3A_386 = vector.broadcast %mul3A_385 : f32 to vector<16xf32>
      %mul3A_387 = arith.mulf %mul3A_386, %add3A_359 : vector<16xf32>
      %mul3A_388 = arith.mulf %mul3A_387, %mul3A_384 : vector<16xf32>
      %mul3A_389 = arith.mulf %mul3A_388, %mul3A_384 : vector<16xf32>
      %sub3A_390 = arith.constant 1.500000e+00 : f32
      %sub3A_391 = vector.broadcast %sub3A_390 : f32 to vector<16xf32>
      %sub3A_392 = arith.subf %sub3A_391, %mul3A_389 : vector<16xf32>
      %mul3A_393 = arith.mulf %mul3A_384, %sub3A_392 : vector<16xf32>
      %mul3A_394 = arith.constant 16 : i32
      %mul3A_395 = arith.muli %while3A_64, %mul3A_394 : i32
      %sub3A_396 = arith.subi %reduce_max3A_33, %mul3A_395 : i32
      %lt3A = vector.broadcast %sub3A_396 : i32 to vector<16xi32>
      %lt3A_397 = arith.cmpi slt, %iota3A, %lt3A : vector<16xi32>
      %get3A_398 = arith.constant 0 : index
      %get3A_399 = tpu.vector_load %arg13[%get3A_398] {strides = array<i32>} : memref<16xi32, #tpu.memory_space<vmem>>, vector<16xi32>,
      %jit3A = arith.constant 16 : i32
      %broadcast_in_dim3A_400 = vector.broadcast %jit3A : i32 to vector<16xi32>
      %select_n3A = arith.select %lt3A_397, %get3A_399, %broadcast_in_dim3A_400 : vector<16xi1>, vector<16xi32>
      %parallel_loop3A_401 = arith.constant 0 : i32
      %parallel_loop3A_402 = arith.constant 128 : i32
      %parallel_loop3A_403 = arith.constant 1 : i32
      scf.for %parallel_loop3A_404 = %parallel_loop3A_401 to %parallel_loop3A_402 step %parallel_loop3A_403  : i32 {
        %parallel_loop3A_405 = arith.constant 0 : i32
        %parallel_loop3A_406 = vector.broadcast %parallel_loop3A_405 : i32 to vector<16xi32>
        %parallel_loop3A_407 = vector.broadcast %parallel_loop3A_404 : i32 to vector<16xi32>
        %parallel_loop3A_408 = arith.addi %parallel_loop3A_406, %parallel_loop3A_407 : vector<16xi32>
        %parallel_loop3A_409 = tpu.vector_load_idx %arg16[%iota3A, %parallel_loop3A_408] : memref<16x128xf32, #tpu.memory_space<vmem>>[vector<16xi32>, vector<16xi32>], vector<16xf32>,
        %parallel_loop3A_410 = arith.constant 128 : i32
        %parallel_loop3A_411 = vector.broadcast %parallel_loop3A_410 : i32 to vector<16xi32>
        %parallel_loop3A_412 = arith.muli %select_n3A, %parallel_loop3A_411 : vector<16xi32>
        %parallel_loop3A_413 = arith.addi %parallel_loop3A_412, %parallel_loop3A_408 : vector<16xi32>
        %parallel_loop3A_414 = arith.mulf %parallel_loop3A_409, %mul3A_393 : vector<16xf32>
        tpu.vector_store_idx %arg17[%parallel_loop3A_413], %parallel_loop3A_414 masked %lt3A_397 {add = true} : memref<2176xf32, #tpu.memory_space<vmem>>[vector<16xi32>], vector<16xf32>, vector<16xi1>
      } {sc.loop_unroll_factor = 8 : i64, sc.parallel_access}
    }
    %mul3A_60 = arith.constant 16 : i32
    %mul3A_61 = arith.muli %add3A, %mul3A_60 : i32
    %mul3A_62 = arith.constant 128 : i32
    %mul3A_63 = arith.muli %mul3A_61, %mul3A_62 : i32
    "tpu.region"() ({
      %run_scoped3A = tpu.sem_alloc : memref<!tpu.dma_semaphore, #tpu.memory_space<semaphore_mem>>
      %dma_start3A_64 = arith.constant 0 : i32
      %dma_start3A_65 = tpu.memref_slice %arg17[%dma_start3A_64] : memref<2176xf32, #tpu.memory_space<vmem>> -> memref<2048xf32, #tpu.memory_space<vmem>>
      %dma_start3A_66 = tpu.memref_slice %arg6[%mul3A_63] : memref<65536xf32, #tpu.memory_space<hbm>> -> memref<2048xf32, #tpu.memory_space<hbm>>
      %dma_start3A_67 = tpu.memref_slice %arg6[%mul3A_63] : memref<65536xf32, #tpu.memory_space<hbm>> -> memref<2048xf32, #tpu.memory_space<hbm>>
      %dma_start3A_68 = arith.constant 0 : i32
      %dma_start3A_69 = tpu.memref_slice %arg17[%dma_start3A_68] : memref<2176xf32, #tpu.memory_space<vmem>> -> memref<2048xf32, #tpu.memory_space<vmem>>
      tpu.enqueue_dma source(%dma_start3A_69 : memref<2048xf32, #tpu.memory_space<vmem>>) target(%dma_start3A_67 : memref<2048xf32, #tpu.memory_space<hbm>>) target_semaphore(%run_scoped3A : memref<!tpu.dma_semaphore, #tpu.memory_space<semaphore_mem>>)
      %dma_wait3A_70 = arith.constant 0 : i32
      %dma_wait3A_71 = tpu.memref_slice %arg17[%dma_wait3A_70] : memref<2176xf32, #tpu.memory_space<vmem>> -> memref<2048xf32, #tpu.memory_space<vmem>>
      %dma_wait3A_72 = tpu.memref_slice %arg6[%mul3A_63] : memref<65536xf32, #tpu.memory_space<hbm>> -> memref<2048xf32, #tpu.memory_space<hbm>>
      %dma_wait3A_73 = tpu.memref_slice %arg6[%mul3A_63] : memref<65536xf32, #tpu.memory_space<hbm>> -> memref<2048xf32, #tpu.memory_space<hbm>>
      %dma_wait3A_74 = arith.constant 0 : i32
      %dma_wait3A_75 = tpu.memref_slice %arg17[%dma_wait3A_74] : memref<2176xf32, #tpu.memory_space<vmem>> -> memref<2048xf32, #tpu.memory_space<vmem>>
      tpu.wait_dma2 semaphore(%run_scoped3A : memref<!tpu.dma_semaphore, #tpu.memory_space<semaphore_mem>>) src(%dma_wait3A_75 : memref<2048xf32, #tpu.memory_space<vmem>>) dst(%dma_wait3A_73 : memref<2048xf32, #tpu.memory_space<hbm>>)
      tpu.yield
    }) : () -> ()
    return
  }
}

module attributes {stable_mosaic.version = 14 : i64} {
  func.func @_head_body(%arg0: i32, %arg1: memref<16x16xf32, #tpu.memory_space<vmem>>, %arg2: memref<32x16x128xf32, #tpu.memory_space<vmem>>, %arg3: memref<16x128xf32, #tpu.memory_space<vmem>>, %arg4: memref<128x128xf32, #tpu.memory_space<vmem>>, %arg5: memref<1x128xf32, #tpu.memory_space<vmem>>, %arg6: memref<16x128x128xf32, #tpu.memory_space<vmem>>, %arg7: memref<16x128xf32, #tpu.memory_space<vmem>>, %arg8: memref<16x128xf32, #tpu.memory_space<vmem>>) attributes {dimension_semantics = [#tpu.dimension_semantics<arbitrary>], iteration_bounds = array<i64: 1>, scalar_prefetch = 0 : i64, scratch_operands = 0 : i64, tpu.core_type = #tpu.core_type<tc>, window_params = [{transform_indices = @transform_0, window_bounds = array<i64: 16, 16>}, {pipeline_mode = #tpu.pipeline_mode<synchronous>, transform_indices = @transform_1, window_bounds = array<i64: 32, 16, 128>}, {transform_indices = @transform_2, window_bounds = array<i64: 16, 128>}, {pipeline_mode = #tpu.pipeline_mode<synchronous>, transform_indices = @transform_3, window_bounds = array<i64: 128, 128>}, {pipeline_mode = #tpu.pipeline_mode<synchronous>, transform_indices = @transform_4, window_bounds = array<i64: 1, 128>}, {pipeline_mode = #tpu.pipeline_mode<synchronous>, transform_indices = @transform_5, window_bounds = array<i64: 16, 128, 128>}, {pipeline_mode = #tpu.pipeline_mode<synchronous>, transform_indices = @transform_6, window_bounds = array<i64: 16, 128>}, {pipeline_mode = #tpu.pipeline_mode<synchronous>, transform_indices = @transform_7, window_bounds = array<i64: 16, 128>}]} {
    %get3A = arith.constant 0 : index
    %get3A_0 = arith.constant 0 : index
    %get3A_1 = vector.load %arg1[%get3A, %get3A_0] : memref<16x16xf32, #tpu.memory_space<vmem>>, vector<16x16xf32>
    %reduce_sum3A = arith.constant dense<0.000000e+00> : vector<16xf32>
    %reduce_sum3A_2 = vector.multi_reduction <add>, %get3A_1, %reduce_sum3A [0] : vector<16x16xf32> to vector<16xf32>
    %broadcast_in_dim3A = vector.shape_cast %reduce_sum3A_2 : vector<16xf32> to vector<1x16xf32>
    %add3A = arith.constant 1.000000e+00 : f32
    %add3A_3 = vector.broadcast %add3A : f32 to vector<1x16xf32>
    %add3A_4 = arith.addf %broadcast_in_dim3A, %add3A_3 : vector<1x16xf32>
    %rsqrt3A = math.rsqrt %add3A_4 : vector<1x16xf32>
    %broadcast_in_dim3A_5 = arith.constant 1.000000e+00 : f32
    %broadcast_in_dim3A_6 = vector.broadcast %broadcast_in_dim3A_5 : f32 to vector<1x1xf32>
    %dot_general3A = arith.constant dense<0.000000e+00> : vector<16x1xf32>
    %dot_general3A_7 = tpu.matmul %rsqrt3A, %broadcast_in_dim3A_6, %dot_general3A {dimension_numbers = #tpu.dot_dimension_numbers<[0], [0], [1], [1], [0, 1, 1, 1], [], []>, transpose_lhs_hint = false} : vector<1x16xf32>, vector<1x1xf32>, vector<16x1xf32> -> vector<16x1xf32>
    %get3A_8 = arith.constant 0 : index
    %get3A_9 = arith.constant 0 : index
    %get3A_10 = arith.constant 0 : index
    %get3A_11 = vector.load %arg2[%get3A_8, %get3A_9, %get3A_10] : memref<32x16x128xf32, #tpu.memory_space<vmem>>, vector<32x16x128xf32>
    %reduce_sum3A_12 = arith.constant dense<0.000000e+00> : vector<16x128xf32>
    %reduce_sum3A_13 = vector.multi_reduction <add>, %get3A_11, %reduce_sum3A_12 [0] : vector<32x16x128xf32> to vector<16x128xf32>
    %get3A_14 = arith.constant 0 : index
    %get3A_15 = arith.constant 0 : index
    %get3A_16 = vector.load %arg3[%get3A_14, %get3A_15] : memref<16x128xf32, #tpu.memory_space<vmem>>, vector<16x128xf32>
    %mul3A = vector.broadcast %dot_general3A_7 : vector<16x1xf32> to vector<16x128xf32>
    %mul3A_17 = arith.mulf %mul3A, %get3A_16 : vector<16x128xf32>
    %add3A_18 = arith.addf %reduce_sum3A_13, %mul3A_17 : vector<16x128xf32>
    %mul3A_19 = vector.broadcast %dot_general3A_7 : vector<16x1xf32> to vector<16x128xf32>
    %mul3A_20 = arith.mulf %add3A_18, %mul3A_19 : vector<16x128xf32>
    %get3A_21 = arith.constant 0 : index
    %get3A_22 = arith.constant 0 : index
    %get3A_23 = vector.load %arg4[%get3A_21, %get3A_22] : memref<128x128xf32, #tpu.memory_space<vmem>>, vector<128x128xf32>
    %dot_general3A_24 = arith.constant dense<0.000000e+00> : vector<16x128xf32>
    %dot_general3A_25 = tpu.matmul %mul3A_20, %get3A_23, %dot_general3A_24 {dimension_numbers = #tpu.dot_dimension_numbers<[1], [0], [0], [1], [0, 0, 1, 1], [], []>, transpose_lhs_hint = false} : vector<16x128xf32>, vector<128x128xf32>, vector<16x128xf32> -> vector<16x128xf32>
    %get3A_26 = arith.constant 0 : index
    %get3A_27 = arith.constant 0 : index
    %get3A_28 = vector.load %arg5[%get3A_26, %get3A_27] : memref<1x128xf32, #tpu.memory_space<vmem>>, vector<1x128xf32>
    %add3A_29 = vector.broadcast %get3A_28 : vector<1x128xf32> to vector<16x128xf32>
    %add3A_30 = arith.addf %dot_general3A_25, %add3A_29 : vector<16x128xf32>
    %slice3A = vector.extract_strided_slice %add3A_30 {offsets = [0, 0], sizes = [1, 128], strides = [1, 1]} : vector<16x128xf32> to vector<1x128xf32>
    %get3A_31 = arith.constant 0 : index
    %get3A_32 = arith.constant 0 : index
    %get3A_33 = arith.constant 0 : index
    %get3A_34 = vector.load %arg6[%get3A_31, %get3A_32, %get3A_33] : memref<16x128x128xf32, #tpu.memory_space<vmem>>, vector<1x128x128xf32>
    %get3A_35 = vector.shape_cast %get3A_34 : vector<1x128x128xf32> to vector<128x128xf32>
    %dot_general3A_36 = arith.constant dense<0.000000e+00> : vector<1x128xf32>
    %dot_general3A_37 = tpu.matmul %slice3A, %get3A_35, %dot_general3A_36 {dimension_numbers = #tpu.dot_dimension_numbers<[1], [0], [0], [1], [0, 0, 1, 1], [], []>, transpose_lhs_hint = false} : vector<1x128xf32>, vector<128x128xf32>, vector<1x128xf32> -> vector<1x128xf32>
    %get3A_38 = arith.constant 0 : index
    %get3A_39 = arith.constant 0 : index
    %get3A_40 = vector.load %arg7[%get3A_38, %get3A_39] : memref<16x128xf32, #tpu.memory_space<vmem>>, vector<1x128xf32>
    %add3A_41 = arith.addf %dot_general3A_37, %get3A_40 : vector<1x128xf32>
    %swap3A = arith.constant 0 : index
    %swap3A_42 = arith.constant 0 : index
    %swap3A_43 = vector.load %arg8[%swap3A, %swap3A_42] : memref<16x128xf32, #tpu.memory_space<vmem>>, vector<1x128xf32>
    tpu.vector_store %arg8[%swap3A, %swap3A_42], %add3A_41 {strides = array<i32>} : memref<16x128xf32, #tpu.memory_space<vmem>>, vector<1x128xf32>,
    %slice3A_44 = vector.extract_strided_slice %add3A_30 {offsets = [1, 0], sizes = [1, 128], strides = [1, 1]} : vector<16x128xf32> to vector<1x128xf32>
    %get3A_45 = arith.constant 1 : index
    %get3A_46 = arith.constant 0 : index
    %get3A_47 = arith.constant 0 : index
    %get3A_48 = vector.load %arg6[%get3A_45, %get3A_46, %get3A_47] : memref<16x128x128xf32, #tpu.memory_space<vmem>>, vector<1x128x128xf32>
    %get3A_49 = vector.shape_cast %get3A_48 : vector<1x128x128xf32> to vector<128x128xf32>
    %dot_general3A_50 = arith.constant dense<0.000000e+00> : vector<1x128xf32>
    %dot_general3A_51 = tpu.matmul %slice3A_44, %get3A_49, %dot_general3A_50 {dimension_numbers = #tpu.dot_dimension_numbers<[1], [0], [0], [1], [0, 0, 1, 1], [], []>, transpose_lhs_hint = false} : vector<1x128xf32>, vector<128x128xf32>, vector<1x128xf32> -> vector<1x128xf32>
    %get3A_52 = arith.constant 1 : index
    %get3A_53 = arith.constant 0 : index
    %get3A_54 = vector.load %arg7[%get3A_52, %get3A_53] : memref<16x128xf32, #tpu.memory_space<vmem>>, vector<1x128xf32>
    %add3A_55 = arith.addf %dot_general3A_51, %get3A_54 : vector<1x128xf32>
    %swap3A_56 = arith.constant 1 : index
    %swap3A_57 = arith.constant 0 : index
    %swap3A_58 = vector.load %arg8[%swap3A_56, %swap3A_57] : memref<16x128xf32, #tpu.memory_space<vmem>>, vector<1x128xf32>
    tpu.vector_store %arg8[%swap3A_56, %swap3A_57], %add3A_55 {strides = array<i32>} : memref<16x128xf32, #tpu.memory_space<vmem>>, vector<1x128xf32>,
    %slice3A_59 = vector.extract_strided_slice %add3A_30 {offsets = [2, 0], sizes = [1, 128], strides = [1, 1]} : vector<16x128xf32> to vector<1x128xf32>
    %get3A_60 = arith.constant 2 : index
    %get3A_61 = arith.constant 0 : index
    %get3A_62 = arith.constant 0 : index
    %get3A_63 = vector.load %arg6[%get3A_60, %get3A_61, %get3A_62] : memref<16x128x128xf32, #tpu.memory_space<vmem>>, vector<1x128x128xf32>
    %get3A_64 = vector.shape_cast %get3A_63 : vector<1x128x128xf32> to vector<128x128xf32>
    %dot_general3A_65 = arith.constant dense<0.000000e+00> : vector<1x128xf32>
    %dot_general3A_66 = tpu.matmul %slice3A_59, %get3A_64, %dot_general3A_65 {dimension_numbers = #tpu.dot_dimension_numbers<[1], [0], [0], [1], [0, 0, 1, 1], [], []>, transpose_lhs_hint = false} : vector<1x128xf32>, vector<128x128xf32>, vector<1x128xf32> -> vector<1x128xf32>
    %get3A_67 = arith.constant 2 : index
    %get3A_68 = arith.constant 0 : index
    %get3A_69 = vector.load %arg7[%get3A_67, %get3A_68] : memref<16x128xf32, #tpu.memory_space<vmem>>, vector<1x128xf32>
    %add3A_70 = arith.addf %dot_general3A_66, %get3A_69 : vector<1x128xf32>
    %swap3A_71 = arith.constant 2 : index
    %swap3A_72 = arith.constant 0 : index
    %swap3A_73 = vector.load %arg8[%swap3A_71, %swap3A_72] : memref<16x128xf32, #tpu.memory_space<vmem>>, vector<1x128xf32>
    tpu.vector_store %arg8[%swap3A_71, %swap3A_72], %add3A_70 {strides = array<i32>} : memref<16x128xf32, #tpu.memory_space<vmem>>, vector<1x128xf32>,
    %slice3A_74 = vector.extract_strided_slice %add3A_30 {offsets = [3, 0], sizes = [1, 128], strides = [1, 1]} : vector<16x128xf32> to vector<1x128xf32>
    %get3A_75 = arith.constant 3 : index
    %get3A_76 = arith.constant 0 : index
    %get3A_77 = arith.constant 0 : index
    %get3A_78 = vector.load %arg6[%get3A_75, %get3A_76, %get3A_77] : memref<16x128x128xf32, #tpu.memory_space<vmem>>, vector<1x128x128xf32>
    %get3A_79 = vector.shape_cast %get3A_78 : vector<1x128x128xf32> to vector<128x128xf32>
    %dot_general3A_80 = arith.constant dense<0.000000e+00> : vector<1x128xf32>
    %dot_general3A_81 = tpu.matmul %slice3A_74, %get3A_79, %dot_general3A_80 {dimension_numbers = #tpu.dot_dimension_numbers<[1], [0], [0], [1], [0, 0, 1, 1], [], []>, transpose_lhs_hint = false} : vector<1x128xf32>, vector<128x128xf32>, vector<1x128xf32> -> vector<1x128xf32>
    %get3A_82 = arith.constant 3 : index
    %get3A_83 = arith.constant 0 : index
    %get3A_84 = vector.load %arg7[%get3A_82, %get3A_83] : memref<16x128xf32, #tpu.memory_space<vmem>>, vector<1x128xf32>
    %add3A_85 = arith.addf %dot_general3A_81, %get3A_84 : vector<1x128xf32>
    %swap3A_86 = arith.constant 3 : index
    %swap3A_87 = arith.constant 0 : index
    %swap3A_88 = vector.load %arg8[%swap3A_86, %swap3A_87] : memref<16x128xf32, #tpu.memory_space<vmem>>, vector<1x128xf32>
    tpu.vector_store %arg8[%swap3A_86, %swap3A_87], %add3A_85 {strides = array<i32>} : memref<16x128xf32, #tpu.memory_space<vmem>>, vector<1x128xf32>,
    %slice3A_89 = vector.extract_strided_slice %add3A_30 {offsets = [4, 0], sizes = [1, 128], strides = [1, 1]} : vector<16x128xf32> to vector<1x128xf32>
    %get3A_90 = arith.constant 4 : index
    %get3A_91 = arith.constant 0 : index
    %get3A_92 = arith.constant 0 : index
    %get3A_93 = vector.load %arg6[%get3A_90, %get3A_91, %get3A_92] : memref<16x128x128xf32, #tpu.memory_space<vmem>>, vector<1x128x128xf32>
    %get3A_94 = vector.shape_cast %get3A_93 : vector<1x128x128xf32> to vector<128x128xf32>
    %dot_general3A_95 = arith.constant dense<0.000000e+00> : vector<1x128xf32>
    %dot_general3A_96 = tpu.matmul %slice3A_89, %get3A_94, %dot_general3A_95 {dimension_numbers = #tpu.dot_dimension_numbers<[1], [0], [0], [1], [0, 0, 1, 1], [], []>, transpose_lhs_hint = false} : vector<1x128xf32>, vector<128x128xf32>, vector<1x128xf32> -> vector<1x128xf32>
    %get3A_97 = arith.constant 4 : index
    %get3A_98 = arith.constant 0 : index
    %get3A_99 = vector.load %arg7[%get3A_97, %get3A_98] : memref<16x128xf32, #tpu.memory_space<vmem>>, vector<1x128xf32>
    %add3A_100 = arith.addf %dot_general3A_96, %get3A_99 : vector<1x128xf32>
    %swap3A_101 = arith.constant 4 : index
    %swap3A_102 = arith.constant 0 : index
    %swap3A_103 = vector.load %arg8[%swap3A_101, %swap3A_102] : memref<16x128xf32, #tpu.memory_space<vmem>>, vector<1x128xf32>
    tpu.vector_store %arg8[%swap3A_101, %swap3A_102], %add3A_100 {strides = array<i32>} : memref<16x128xf32, #tpu.memory_space<vmem>>, vector<1x128xf32>,
    %slice3A_104 = vector.extract_strided_slice %add3A_30 {offsets = [5, 0], sizes = [1, 128], strides = [1, 1]} : vector<16x128xf32> to vector<1x128xf32>
    %get3A_105 = arith.constant 5 : index
    %get3A_106 = arith.constant 0 : index
    %get3A_107 = arith.constant 0 : index
    %get3A_108 = vector.load %arg6[%get3A_105, %get3A_106, %get3A_107] : memref<16x128x128xf32, #tpu.memory_space<vmem>>, vector<1x128x128xf32>
    %get3A_109 = vector.shape_cast %get3A_108 : vector<1x128x128xf32> to vector<128x128xf32>
    %dot_general3A_110 = arith.constant dense<0.000000e+00> : vector<1x128xf32>
    %dot_general3A_111 = tpu.matmul %slice3A_104, %get3A_109, %dot_general3A_110 {dimension_numbers = #tpu.dot_dimension_numbers<[1], [0], [0], [1], [0, 0, 1, 1], [], []>, transpose_lhs_hint = false} : vector<1x128xf32>, vector<128x128xf32>, vector<1x128xf32> -> vector<1x128xf32>
    %get3A_112 = arith.constant 5 : index
    %get3A_113 = arith.constant 0 : index
    %get3A_114 = vector.load %arg7[%get3A_112, %get3A_113] : memref<16x128xf32, #tpu.memory_space<vmem>>, vector<1x128xf32>
    %add3A_115 = arith.addf %dot_general3A_111, %get3A_114 : vector<1x128xf32>
    %swap3A_116 = arith.constant 5 : index
    %swap3A_117 = arith.constant 0 : index
    %swap3A_118 = vector.load %arg8[%swap3A_116, %swap3A_117] : memref<16x128xf32, #tpu.memory_space<vmem>>, vector<1x128xf32>
    tpu.vector_store %arg8[%swap3A_116, %swap3A_117], %add3A_115 {strides = array<i32>} : memref<16x128xf32, #tpu.memory_space<vmem>>, vector<1x128xf32>,
    %slice3A_119 = vector.extract_strided_slice %add3A_30 {offsets = [6, 0], sizes = [1, 128], strides = [1, 1]} : vector<16x128xf32> to vector<1x128xf32>
    %get3A_120 = arith.constant 6 : index
    %get3A_121 = arith.constant 0 : index
    %get3A_122 = arith.constant 0 : index
    %get3A_123 = vector.load %arg6[%get3A_120, %get3A_121, %get3A_122] : memref<16x128x128xf32, #tpu.memory_space<vmem>>, vector<1x128x128xf32>
    %get3A_124 = vector.shape_cast %get3A_123 : vector<1x128x128xf32> to vector<128x128xf32>
    %dot_general3A_125 = arith.constant dense<0.000000e+00> : vector<1x128xf32>
    %dot_general3A_126 = tpu.matmul %slice3A_119, %get3A_124, %dot_general3A_125 {dimension_numbers = #tpu.dot_dimension_numbers<[1], [0], [0], [1], [0, 0, 1, 1], [], []>, transpose_lhs_hint = false} : vector<1x128xf32>, vector<128x128xf32>, vector<1x128xf32> -> vector<1x128xf32>
    %get3A_127 = arith.constant 6 : index
    %get3A_128 = arith.constant 0 : index
    %get3A_129 = vector.load %arg7[%get3A_127, %get3A_128] : memref<16x128xf32, #tpu.memory_space<vmem>>, vector<1x128xf32>
    %add3A_130 = arith.addf %dot_general3A_126, %get3A_129 : vector<1x128xf32>
    %swap3A_131 = arith.constant 6 : index
    %swap3A_132 = arith.constant 0 : index
    %swap3A_133 = vector.load %arg8[%swap3A_131, %swap3A_132] : memref<16x128xf32, #tpu.memory_space<vmem>>, vector<1x128xf32>
    tpu.vector_store %arg8[%swap3A_131, %swap3A_132], %add3A_130 {strides = array<i32>} : memref<16x128xf32, #tpu.memory_space<vmem>>, vector<1x128xf32>,
    %slice3A_134 = vector.extract_strided_slice %add3A_30 {offsets = [7, 0], sizes = [1, 128], strides = [1, 1]} : vector<16x128xf32> to vector<1x128xf32>
    %get3A_135 = arith.constant 7 : index
    %get3A_136 = arith.constant 0 : index
    %get3A_137 = arith.constant 0 : index
    %get3A_138 = vector.load %arg6[%get3A_135, %get3A_136, %get3A_137] : memref<16x128x128xf32, #tpu.memory_space<vmem>>, vector<1x128x128xf32>
    %get3A_139 = vector.shape_cast %get3A_138 : vector<1x128x128xf32> to vector<128x128xf32>
    %dot_general3A_140 = arith.constant dense<0.000000e+00> : vector<1x128xf32>
    %dot_general3A_141 = tpu.matmul %slice3A_134, %get3A_139, %dot_general3A_140 {dimension_numbers = #tpu.dot_dimension_numbers<[1], [0], [0], [1], [0, 0, 1, 1], [], []>, transpose_lhs_hint = false} : vector<1x128xf32>, vector<128x128xf32>, vector<1x128xf32> -> vector<1x128xf32>
    %get3A_142 = arith.constant 7 : index
    %get3A_143 = arith.constant 0 : index
    %get3A_144 = vector.load %arg7[%get3A_142, %get3A_143] : memref<16x128xf32, #tpu.memory_space<vmem>>, vector<1x128xf32>
    %add3A_145 = arith.addf %dot_general3A_141, %get3A_144 : vector<1x128xf32>
    %swap3A_146 = arith.constant 7 : index
    %swap3A_147 = arith.constant 0 : index
    %swap3A_148 = vector.load %arg8[%swap3A_146, %swap3A_147] : memref<16x128xf32, #tpu.memory_space<vmem>>, vector<1x128xf32>
    tpu.vector_store %arg8[%swap3A_146, %swap3A_147], %add3A_145 {strides = array<i32>} : memref<16x128xf32, #tpu.memory_space<vmem>>, vector<1x128xf32>,
    %slice3A_149 = vector.extract_strided_slice %add3A_30 {offsets = [8, 0], sizes = [1, 128], strides = [1, 1]} : vector<16x128xf32> to vector<1x128xf32>
    %get3A_150 = arith.constant 8 : index
    %get3A_151 = arith.constant 0 : index
    %get3A_152 = arith.constant 0 : index
    %get3A_153 = vector.load %arg6[%get3A_150, %get3A_151, %get3A_152] : memref<16x128x128xf32, #tpu.memory_space<vmem>>, vector<1x128x128xf32>
    %get3A_154 = vector.shape_cast %get3A_153 : vector<1x128x128xf32> to vector<128x128xf32>
    %dot_general3A_155 = arith.constant dense<0.000000e+00> : vector<1x128xf32>
    %dot_general3A_156 = tpu.matmul %slice3A_149, %get3A_154, %dot_general3A_155 {dimension_numbers = #tpu.dot_dimension_numbers<[1], [0], [0], [1], [0, 0, 1, 1], [], []>, transpose_lhs_hint = false} : vector<1x128xf32>, vector<128x128xf32>, vector<1x128xf32> -> vector<1x128xf32>
    %get3A_157 = arith.constant 8 : index
    %get3A_158 = arith.constant 0 : index
    %get3A_159 = vector.load %arg7[%get3A_157, %get3A_158] : memref<16x128xf32, #tpu.memory_space<vmem>>, vector<1x128xf32>
    %add3A_160 = arith.addf %dot_general3A_156, %get3A_159 : vector<1x128xf32>
    %swap3A_161 = arith.constant 8 : index
    %swap3A_162 = arith.constant 0 : index
    %swap3A_163 = vector.load %arg8[%swap3A_161, %swap3A_162] : memref<16x128xf32, #tpu.memory_space<vmem>>, vector<1x128xf32>
    tpu.vector_store %arg8[%swap3A_161, %swap3A_162], %add3A_160 {strides = array<i32>} : memref<16x128xf32, #tpu.memory_space<vmem>>, vector<1x128xf32>,
    %slice3A_164 = vector.extract_strided_slice %add3A_30 {offsets = [9, 0], sizes = [1, 128], strides = [1, 1]} : vector<16x128xf32> to vector<1x128xf32>
    %get3A_165 = arith.constant 9 : index
    %get3A_166 = arith.constant 0 : index
    %get3A_167 = arith.constant 0 : index
    %get3A_168 = vector.load %arg6[%get3A_165, %get3A_166, %get3A_167] : memref<16x128x128xf32, #tpu.memory_space<vmem>>, vector<1x128x128xf32>
    %get3A_169 = vector.shape_cast %get3A_168 : vector<1x128x128xf32> to vector<128x128xf32>
    %dot_general3A_170 = arith.constant dense<0.000000e+00> : vector<1x128xf32>
    %dot_general3A_171 = tpu.matmul %slice3A_164, %get3A_169, %dot_general3A_170 {dimension_numbers = #tpu.dot_dimension_numbers<[1], [0], [0], [1], [0, 0, 1, 1], [], []>, transpose_lhs_hint = false} : vector<1x128xf32>, vector<128x128xf32>, vector<1x128xf32> -> vector<1x128xf32>
    %get3A_172 = arith.constant 9 : index
    %get3A_173 = arith.constant 0 : index
    %get3A_174 = vector.load %arg7[%get3A_172, %get3A_173] : memref<16x128xf32, #tpu.memory_space<vmem>>, vector<1x128xf32>
    %add3A_175 = arith.addf %dot_general3A_171, %get3A_174 : vector<1x128xf32>
    %swap3A_176 = arith.constant 9 : index
    %swap3A_177 = arith.constant 0 : index
    %swap3A_178 = vector.load %arg8[%swap3A_176, %swap3A_177] : memref<16x128xf32, #tpu.memory_space<vmem>>, vector<1x128xf32>
    tpu.vector_store %arg8[%swap3A_176, %swap3A_177], %add3A_175 {strides = array<i32>} : memref<16x128xf32, #tpu.memory_space<vmem>>, vector<1x128xf32>,
    %slice3A_179 = vector.extract_strided_slice %add3A_30 {offsets = [10, 0], sizes = [1, 128], strides = [1, 1]} : vector<16x128xf32> to vector<1x128xf32>
    %get3A_180 = arith.constant 10 : index
    %get3A_181 = arith.constant 0 : index
    %get3A_182 = arith.constant 0 : index
    %get3A_183 = vector.load %arg6[%get3A_180, %get3A_181, %get3A_182] : memref<16x128x128xf32, #tpu.memory_space<vmem>>, vector<1x128x128xf32>
    %get3A_184 = vector.shape_cast %get3A_183 : vector<1x128x128xf32> to vector<128x128xf32>
    %dot_general3A_185 = arith.constant dense<0.000000e+00> : vector<1x128xf32>
    %dot_general3A_186 = tpu.matmul %slice3A_179, %get3A_184, %dot_general3A_185 {dimension_numbers = #tpu.dot_dimension_numbers<[1], [0], [0], [1], [0, 0, 1, 1], [], []>, transpose_lhs_hint = false} : vector<1x128xf32>, vector<128x128xf32>, vector<1x128xf32> -> vector<1x128xf32>
    %get3A_187 = arith.constant 10 : index
    %get3A_188 = arith.constant 0 : index
    %get3A_189 = vector.load %arg7[%get3A_187, %get3A_188] : memref<16x128xf32, #tpu.memory_space<vmem>>, vector<1x128xf32>
    %add3A_190 = arith.addf %dot_general3A_186, %get3A_189 : vector<1x128xf32>
    %swap3A_191 = arith.constant 10 : index
    %swap3A_192 = arith.constant 0 : index
    %swap3A_193 = vector.load %arg8[%swap3A_191, %swap3A_192] : memref<16x128xf32, #tpu.memory_space<vmem>>, vector<1x128xf32>
    tpu.vector_store %arg8[%swap3A_191, %swap3A_192], %add3A_190 {strides = array<i32>} : memref<16x128xf32, #tpu.memory_space<vmem>>, vector<1x128xf32>,
    %slice3A_194 = vector.extract_strided_slice %add3A_30 {offsets = [11, 0], sizes = [1, 128], strides = [1, 1]} : vector<16x128xf32> to vector<1x128xf32>
    %get3A_195 = arith.constant 11 : index
    %get3A_196 = arith.constant 0 : index
    %get3A_197 = arith.constant 0 : index
    %get3A_198 = vector.load %arg6[%get3A_195, %get3A_196, %get3A_197] : memref<16x128x128xf32, #tpu.memory_space<vmem>>, vector<1x128x128xf32>
    %get3A_199 = vector.shape_cast %get3A_198 : vector<1x128x128xf32> to vector<128x128xf32>
    %dot_general3A_200 = arith.constant dense<0.000000e+00> : vector<1x128xf32>
    %dot_general3A_201 = tpu.matmul %slice3A_194, %get3A_199, %dot_general3A_200 {dimension_numbers = #tpu.dot_dimension_numbers<[1], [0], [0], [1], [0, 0, 1, 1], [], []>, transpose_lhs_hint = false} : vector<1x128xf32>, vector<128x128xf32>, vector<1x128xf32> -> vector<1x128xf32>
    %get3A_202 = arith.constant 11 : index
    %get3A_203 = arith.constant 0 : index
    %get3A_204 = vector.load %arg7[%get3A_202, %get3A_203] : memref<16x128xf32, #tpu.memory_space<vmem>>, vector<1x128xf32>
    %add3A_205 = arith.addf %dot_general3A_201, %get3A_204 : vector<1x128xf32>
    %swap3A_206 = arith.constant 11 : index
    %swap3A_207 = arith.constant 0 : index
    %swap3A_208 = vector.load %arg8[%swap3A_206, %swap3A_207] : memref<16x128xf32, #tpu.memory_space<vmem>>, vector<1x128xf32>
    tpu.vector_store %arg8[%swap3A_206, %swap3A_207], %add3A_205 {strides = array<i32>} : memref<16x128xf32, #tpu.memory_space<vmem>>, vector<1x128xf32>,
    %slice3A_209 = vector.extract_strided_slice %add3A_30 {offsets = [12, 0], sizes = [1, 128], strides = [1, 1]} : vector<16x128xf32> to vector<1x128xf32>
    %get3A_210 = arith.constant 12 : index
    %get3A_211 = arith.constant 0 : index
    %get3A_212 = arith.constant 0 : index
    %get3A_213 = vector.load %arg6[%get3A_210, %get3A_211, %get3A_212] : memref<16x128x128xf32, #tpu.memory_space<vmem>>, vector<1x128x128xf32>
    %get3A_214 = vector.shape_cast %get3A_213 : vector<1x128x128xf32> to vector<128x128xf32>
    %dot_general3A_215 = arith.constant dense<0.000000e+00> : vector<1x128xf32>
    %dot_general3A_216 = tpu.matmul %slice3A_209, %get3A_214, %dot_general3A_215 {dimension_numbers = #tpu.dot_dimension_numbers<[1], [0], [0], [1], [0, 0, 1, 1], [], []>, transpose_lhs_hint = false} : vector<1x128xf32>, vector<128x128xf32>, vector<1x128xf32> -> vector<1x128xf32>
    %get3A_217 = arith.constant 12 : index
    %get3A_218 = arith.constant 0 : index
    %get3A_219 = vector.load %arg7[%get3A_217, %get3A_218] : memref<16x128xf32, #tpu.memory_space<vmem>>, vector<1x128xf32>
    %add3A_220 = arith.addf %dot_general3A_216, %get3A_219 : vector<1x128xf32>
    %swap3A_221 = arith.constant 12 : index
    %swap3A_222 = arith.constant 0 : index
    %swap3A_223 = vector.load %arg8[%swap3A_221, %swap3A_222] : memref<16x128xf32, #tpu.memory_space<vmem>>, vector<1x128xf32>
    tpu.vector_store %arg8[%swap3A_221, %swap3A_222], %add3A_220 {strides = array<i32>} : memref<16x128xf32, #tpu.memory_space<vmem>>, vector<1x128xf32>,
    %slice3A_224 = vector.extract_strided_slice %add3A_30 {offsets = [13, 0], sizes = [1, 128], strides = [1, 1]} : vector<16x128xf32> to vector<1x128xf32>
    %get3A_225 = arith.constant 13 : index
    %get3A_226 = arith.constant 0 : index
    %get3A_227 = arith.constant 0 : index
    %get3A_228 = vector.load %arg6[%get3A_225, %get3A_226, %get3A_227] : memref<16x128x128xf32, #tpu.memory_space<vmem>>, vector<1x128x128xf32>
    %get3A_229 = vector.shape_cast %get3A_228 : vector<1x128x128xf32> to vector<128x128xf32>
    %dot_general3A_230 = arith.constant dense<0.000000e+00> : vector<1x128xf32>
    %dot_general3A_231 = tpu.matmul %slice3A_224, %get3A_229, %dot_general3A_230 {dimension_numbers = #tpu.dot_dimension_numbers<[1], [0], [0], [1], [0, 0, 1, 1], [], []>, transpose_lhs_hint = false} : vector<1x128xf32>, vector<128x128xf32>, vector<1x128xf32> -> vector<1x128xf32>
    %get3A_232 = arith.constant 13 : index
    %get3A_233 = arith.constant 0 : index
    %get3A_234 = vector.load %arg7[%get3A_232, %get3A_233] : memref<16x128xf32, #tpu.memory_space<vmem>>, vector<1x128xf32>
    %add3A_235 = arith.addf %dot_general3A_231, %get3A_234 : vector<1x128xf32>
    %swap3A_236 = arith.constant 13 : index
    %swap3A_237 = arith.constant 0 : index
    %swap3A_238 = vector.load %arg8[%swap3A_236, %swap3A_237] : memref<16x128xf32, #tpu.memory_space<vmem>>, vector<1x128xf32>
    tpu.vector_store %arg8[%swap3A_236, %swap3A_237], %add3A_235 {strides = array<i32>} : memref<16x128xf32, #tpu.memory_space<vmem>>, vector<1x128xf32>,
    %slice3A_239 = vector.extract_strided_slice %add3A_30 {offsets = [14, 0], sizes = [1, 128], strides = [1, 1]} : vector<16x128xf32> to vector<1x128xf32>
    %get3A_240 = arith.constant 14 : index
    %get3A_241 = arith.constant 0 : index
    %get3A_242 = arith.constant 0 : index
    %get3A_243 = vector.load %arg6[%get3A_240, %get3A_241, %get3A_242] : memref<16x128x128xf32, #tpu.memory_space<vmem>>, vector<1x128x128xf32>
    %get3A_244 = vector.shape_cast %get3A_243 : vector<1x128x128xf32> to vector<128x128xf32>
    %dot_general3A_245 = arith.constant dense<0.000000e+00> : vector<1x128xf32>
    %dot_general3A_246 = tpu.matmul %slice3A_239, %get3A_244, %dot_general3A_245 {dimension_numbers = #tpu.dot_dimension_numbers<[1], [0], [0], [1], [0, 0, 1, 1], [], []>, transpose_lhs_hint = false} : vector<1x128xf32>, vector<128x128xf32>, vector<1x128xf32> -> vector<1x128xf32>
    %get3A_247 = arith.constant 14 : index
    %get3A_248 = arith.constant 0 : index
    %get3A_249 = vector.load %arg7[%get3A_247, %get3A_248] : memref<16x128xf32, #tpu.memory_space<vmem>>, vector<1x128xf32>
    %add3A_250 = arith.addf %dot_general3A_246, %get3A_249 : vector<1x128xf32>
    %swap3A_251 = arith.constant 14 : index
    %swap3A_252 = arith.constant 0 : index
    %swap3A_253 = vector.load %arg8[%swap3A_251, %swap3A_252] : memref<16x128xf32, #tpu.memory_space<vmem>>, vector<1x128xf32>
    tpu.vector_store %arg8[%swap3A_251, %swap3A_252], %add3A_250 {strides = array<i32>} : memref<16x128xf32, #tpu.memory_space<vmem>>, vector<1x128xf32>,
    %slice3A_254 = vector.extract_strided_slice %add3A_30 {offsets = [15, 0], sizes = [1, 128], strides = [1, 1]} : vector<16x128xf32> to vector<1x128xf32>
    %get3A_255 = arith.constant 15 : index
    %get3A_256 = arith.constant 0 : index
    %get3A_257 = arith.constant 0 : index
    %get3A_258 = vector.load %arg6[%get3A_255, %get3A_256, %get3A_257] : memref<16x128x128xf32, #tpu.memory_space<vmem>>, vector<1x128x128xf32>
    %get3A_259 = vector.shape_cast %get3A_258 : vector<1x128x128xf32> to vector<128x128xf32>
    %dot_general3A_260 = arith.constant dense<0.000000e+00> : vector<1x128xf32>
    %dot_general3A_261 = tpu.matmul %slice3A_254, %get3A_259, %dot_general3A_260 {dimension_numbers = #tpu.dot_dimension_numbers<[1], [0], [0], [1], [0, 0, 1, 1], [], []>, transpose_lhs_hint = false} : vector<1x128xf32>, vector<128x128xf32>, vector<1x128xf32> -> vector<1x128xf32>
    %get3A_262 = arith.constant 15 : index
    %get3A_263 = arith.constant 0 : index
    %get3A_264 = vector.load %arg7[%get3A_262, %get3A_263] : memref<16x128xf32, #tpu.memory_space<vmem>>, vector<1x128xf32>
    %add3A_265 = arith.addf %dot_general3A_261, %get3A_264 : vector<1x128xf32>
    %swap3A_266 = arith.constant 15 : index
    %swap3A_267 = arith.constant 0 : index
    %swap3A_268 = vector.load %arg8[%swap3A_266, %swap3A_267] : memref<16x128xf32, #tpu.memory_space<vmem>>, vector<1x128xf32>
    tpu.vector_store %arg8[%swap3A_266, %swap3A_267], %add3A_265 {strides = array<i32>} : memref<16x128xf32, #tpu.memory_space<vmem>>, vector<1x128xf32>,
    return
  }
  func.func @transform_0(%arg0: i32) -> (i32, i32) {
    %c0_i32 = arith.constant 0 : i32
    %c0_i32_0 = arith.constant 0 : i32
    %c0_i32_1 = arith.constant 0 : i32
    return %c0_i32, %c0_i32_0 : i32, i32
  }
  func.func @transform_1(%arg0: i32) -> (i32, i32, i32) {
    %c0_i32 = arith.constant 0 : i32
    %c0_i32_0 = arith.constant 0 : i32
    %c0_i32_1 = arith.constant 0 : i32
    %c0_i32_2 = arith.constant 0 : i32
    return %c0_i32, %c0_i32_0, %c0_i32_1 : i32, i32, i32
  }
  func.func @transform_2(%arg0: i32) -> (i32, i32) {
    %c0_i32 = arith.constant 0 : i32
    %c0_i32_0 = arith.constant 0 : i32
    %c0_i32_1 = arith.constant 0 : i32
    return %c0_i32, %c0_i32_0 : i32, i32
  }
  func.func @transform_3(%arg0: i32) -> (i32, i32) {
    %c0_i32 = arith.constant 0 : i32
    %c0_i32_0 = arith.constant 0 : i32
    %c0_i32_1 = arith.constant 0 : i32
    return %c0_i32, %c0_i32_0 : i32, i32
  }
  func.func @transform_4(%arg0: i32) -> (i32, i32) {
    %c0_i32 = arith.constant 0 : i32
    %c0_i32_0 = arith.constant 0 : i32
    %c0_i32_1 = arith.constant 0 : i32
    return %c0_i32, %c0_i32_0 : i32, i32
  }
  func.func @transform_5(%arg0: i32) -> (i32, i32, i32) {
    %c0_i32 = arith.constant 0 : i32
    %c0_i32_0 = arith.constant 0 : i32
    %c0_i32_1 = arith.constant 0 : i32
    %c0_i32_2 = arith.constant 0 : i32
    return %c0_i32, %c0_i32_0, %c0_i32_1 : i32, i32, i32
  }
  func.func @transform_6(%arg0: i32) -> (i32, i32) {
    %c0_i32 = arith.constant 0 : i32
    %c0_i32_0 = arith.constant 0 : i32
    %c0_i32_1 = arith.constant 0 : i32
    return %c0_i32, %c0_i32_0 : i32, i32
  }
  func.func @transform_7(%arg0: i32) -> (i32, i32) {
    %c0_i32 = arith.constant 0 : i32
    %c0_i32_0 = arith.constant 0 : i32
    %c0_i32_1 = arith.constant 0 : i32
    return %c0_i32, %c0_i32_0 : i32, i32
  }
}

</mosaic_0001>

<sc_bundles>
// kernel: kernel.4.cloned.1.call-start
scs
__scs_entry_jumppad:
0x0: {  	(pc) =	sbr.rel $0x88, $3  }
0x1: {  	(tag) =	ssettag $0x0;
	lr =	simm.s32 $0x1  }
0x2: {  	[smem:$0x3F9B] =	sst lr;
	_ =	strace $0xD0000000  }
0x3: {  	_ = 	snop  }
0x4: {  	_ = 	snop  }
0x5: {  	_ = 	snop  }
0x6: {  	_ = 	snop  }
0x7: {  	_ = 	snop  }
__scs_overlays_trampoline_lowered:
0x8: {  	[smem:$0x3FAA] =	sst s0  }
0x9: {  	[smem:$0x3FAB] =	sst s1  }
0xa: {  	[smem:$0x3FAC] =	sst s2  }
0xb: {  	[smem:$0x3FAD] =	sst s3  }
0xc: {  	[smem:$0x3FAE] =	sst s4  }
0xd: {  	[smem:$0x3FAF] =	sst s5  }
0xe: {  	[smem:$0x3FB0] =	sst s6  }
0xf: {  	[smem:$0x3FB1] =	sst s7  }
0x10: {  	[smem:$0x3FB2] =	sst s8  }
0x11: {  	[smem:$0x3FB3] =	sst s9;
	s0 =	simm.s32 @!p0 $0x0  }
0x12: {  	s1 =	sld [smem:$0x3F99];
	s0 =	simm.s32 @p0 $0x1  }
0x13: {  	[smem:$0x3FB4] =	sst s0;
	s0 =	simm.s32 @!p1 $0x0  }
0x14: {  	s2 =	sld [smem:$0x3F98];
	s0 =	simm.s32 @p1 $0x1  }
0x15: {  	[smem:$0x3FB5] =	sst s0;
	s0 =	simm.s32 @!p2 $0x0  }
0x16: {  	s3 =	sld [smem:$0x3FDB];
	s0 =	simm.s32 @p2 $0x1  }
0x17: {  	s4 =	simm.s32 $0x1BF5;
	[smem:$0x3FB7] =	sst s0  }
0x18: {  	s0 =	sld [smem:$0x3F9A];
	_ =	swait.ge [sflag:s4], $0x0  }
0x19: {  	s7 =	sld [smem:$0x3F9B]  }
0x1a: {  	s8 =	sadd.s32 $0xFFFFE003, lr  }
0x1b: {  	s9 =	sadd.s32 $0xFFFFFEF7, lr;
	s5 =	simm.s32 $0xFFFFFFFF;
	p2 =	slt.u32 s8, $0xFFFFF086  }
0x1c: {  	p1 =	slt.u32 s9, $0xF7A;
	s5 =	simm.s32 @!p2 $0x0  }
0x1d: {  	s5 =	simm.s32 @p1 $0x1;
	p0 =	seq.s32 s7, s2  }
0x1e: {  	s7 =	smul.u32 @!p0 $0xF7A, s2;
	p2 =	seq.s32 @!p0 s5, $0x0  }
0x1f: {  	s9 =	smul.u32 $0xF7A, s1;
	s8 =	simm.s32 @!p0 $0x1BF5;
	p2 =	por !p2, p0  }
0x20: {  	[sflag:s8] =	ssyncset.s32 @!p0 $0xFFFFF086;
	s6 =	sadd.s32 @!p0 s3, s7;
	s7 =	simm.s32 @!p0 $0x108  }
0x21: {  	s3 =	sadd.s32 s3, s9;
	s6 =	sadd.s32 @!p0 $0x88, s6;
	s7 =	simm.s32 @p2 $0x1082  }
0x22: {  	[simem:s7], [sflag:s8] =	dma.local @!p0 [hbm:s6], $0xF7A  }
0x23: {  	s9 =	sor.u32 $0xD0000000, s2;
	s6 =	simm.s32 $0x108;
	_ =	swait.ge @!p0 [sflag:s8], $0x0  }
0x24: {  	s3 =	sadd.s32 $0x88, s3;
	s6 =	simm.s32 @!p1 $0x1082;
	[sflag:s4] =	ssyncset.s32 $0xFFFFF086  }
0x25: {  	[simem:s6], [sflag:s4] =	dma.local [hbm:s3], $0xF7A  }
0x26: {  	[smem:$0x3F9B] =	sst s1;
	(tag) =	ssettag s2;
	_ =	strace s9  }
0x27: {  	s1 =	sld [smem:$0x3FAB]  }
0x28: {  	s2 =	sld [smem:$0x3FAC]  }
0x29: {  	s4 =	sld [smem:$0x3FAE]  }
0x2a: {  	p0 =	seq.s32 s5, $0x0;
	s5 =	sld [smem:$0x3FAF]  }
0x2b: {  	s6 =	sld [smem:$0x3FB0]  }
0x2c: {  	s7 =	sld [smem:$0x3FB1]  }
0x2d: {  	s3 =	simm.s32 $0x108;
	s8 =	sld [smem:$0x3FB2]  }
0x2e: {  	s3 =	simm.s32 @!p0 $0x1082;
	s9 =	sld [smem:$0x3FB3]  }
0x2f: {  	lr =	sadd.s32 s0, s3;
	s0 =	sld [smem:$0x3FAA]  }
0x30: {  	s3 =	sld [smem:$0x3FAD]  }
0x31: {  	[smem:$0x3FB6] =	sst s10  }
0x32: {  	s10 =	sld [smem:$0x3FB4];
	_ =	sdelay $0x3  }
0x33: {  	p0 =	seq.s32 s10, $0x1;
	s10 =	sld [smem:$0x3FB6];
	_ =	sdelay $0x3  }
0x34: {  	[smem:$0x3FB6] =	sst s10  }
0x35: {  	s10 =	sld [smem:$0x3FB5];
	_ =	sdelay $0x3  }
0x36: {  	p1 =	seq.s32 s10, $0x1;
	s10 =	sld [smem:$0x3FB6];
	_ =	sdelay $0x3  }
0x37: {  	[smem:$0x3FB6] =	sst s10  }
0x38: {  	s10 =	sld [smem:$0x3FB7]  }
0x39: {  	_ = 	snop;
	(pc) =	sbr.ind lr, $3  }
0x3a: {  	_ = 	snop  }
0x3b: {  	_ = 	snop  }
0x3c: {  	p2 =	seq.s32 s10, $0x1;
	s10 =	sld [smem:$0x3FB6]  }
0x3d: {  	_ =	shalt  }
0x3e: {  	_ =	shalt  }
0x3f: {  	_ =	shalt  }
0x40: {  	_ =	shalt  }
0x41: {  	_ =	shalt  }
0x42: {  	_ =	shalt  }
0x43: {  	_ =	shalt  }
0x44: {  	_ =	shalt  }
0x45: {  	_ =	shalt  }
0x46: {  	_ =	shalt  }
0x47: {  	_ =	shalt  }
0x48: {  	_ =	shalt  }
0x49: {  	_ =	shalt  }
0x4a: {  	_ =	shalt  }
0x4b: {  	_ =	shalt  }
0x4c: {  	_ =	shalt  }
0x4d: {  	_ =	shalt  }
0x4e: {  	_ =	shalt  }
0x4f: {  	_ =	shalt  }
0x50: {  	_ =	shalt  }
0x51: {  	_ =	shalt  }
0x52: {  	_ =	shalt  }
0x53: {  	_ =	shalt  }
0x54: {  	_ =	shalt  }
0x55: {  	_ =	shalt  }
0x56: {  	_ =	shalt  }
0x57: {  	_ =	shalt  }
0x58: {  	_ =	shalt  }
0x59: {  	_ =	shalt  }
0x5a: {  	_ =	shalt  }
0x5b: {  	_ =	shalt  }
0x5c: {  	_ =	shalt  }
0x5d: {  	_ =	shalt  }
0x5e: {  	_ =	shalt  }
0x5f: {  	_ =	shalt  }
0x60: {  	_ =	shalt  }
0x61: {  	_ =	shalt  }
0x62: {  	_ =	shalt  }
0x63: {  	_ =	shalt  }
0x64: {  	_ =	shalt  }
0x65: {  	_ =	shalt  }
0x66: {  	_ =	shalt  }
0x67: {  	_ =	shalt  }
0x68: {  	_ =	shalt  }
0x69: {  	_ =	shalt  }
0x6a: {  	_ =	shalt  }
0x6b: {  	_ =	shalt  }
0x6c: {  	_ =	shalt  }
0x6d: {  	_ =	shalt  }
0x6e: {  	_ =	shalt  }
0x6f: {  	_ =	shalt  }
0x70: {  	_ =	shalt  }
0x71: {  	_ =	shalt  }
0x72: {  	_ =	shalt  }
0x73: {  	_ =	shalt  }
0x74: {  	_ =	shalt  }
0x75: {  	_ =	shalt  }
0x76: {  	_ =	shalt  }
0x77: {  	_ =	shalt  }
0x78: {  	_ =	shalt  }
0x79: {  	_ =	shalt  }
0x7a: {  	_ =	shalt  }
0x7b: {  	_ =	shalt  }
0x7c: {  	_ =	shalt  }
0x7d: {  	_ =	shalt  }
0x7e: {  	_ =	shalt  }
0x7f: {  	_ =	shalt  }
0x80: {  	_ =	shalt  }
0x81: {  	_ =	shalt  }
0x82: {  	_ =	shalt  }
0x83: {  	_ =	shalt  }
0x84: {  	_ =	shalt  }
0x85: {  	_ =	shalt  }
0x86: {  	_ =	shalt  }
0x87: {  	_ =	shalt  }
.Lfunc_end0:
.L_simem_size_0:
called_computation_lowered:
.L_overlay_start_0:
0x88: {  	s2 =	sld [smem:$0x3FD9]  }
0x89: {  	s3 =	sld [smem:$0x3FFE];
	_ =	sdelay $0x1  }
0x8a: {  	s1 =	srdreg.scid  }
0x8b: {  	s0 =	sand.u32 $0x1, s1  }
0x8c: {  	s17 =	sshll.u32 s0, $0xA;
	s2 =	sadd.s32 s3, s2  }
0x8d: {  	s2 =	sadd.s32 s2, s17  }
0x8e: {  	[smem:$0x3FC2] =	sst s2  }
0x8f: {  	_ = 	snop  }
0x90: {  	s2 =	sld [smem:$0x3FC9];
	(tm) =	ssettm $0x1  }
0x91: {  	s18 =	sld [smem:$0x3FFB];
	_ =	sdelay $0x3  }
0x92: {  	_ =	strace s18  }
0x93: {  	s3 =	sld [smem:$0x3FFC];
	_ =	sdelay $0x3  }
0x94: {  	_ =	strace s3  }
0x95: {  	s3 =	sld [smem:$0x3FFD];
	_ =	sdelay $0x3  }
0x96: {  	_ =	strace s3  }
0x97: {  	_ =	strace $0x8FFFFFFF  }
0x98: {  	s19 =	sld [smem:$0x3FDB];
	_ =	sdelay $0x1  }
0x99: {  	s4 =	simm.s32 $_scs_section_size  }
0x9a: {  	s5 =	simm.s32 $_size__tile_overlayer_lowered;
	s6 =	simm.s32 $_tile_overlayer_lowered  }
0x9b: {  	s22 =	simm.s32 $0x1BFF;
	s21 =	sshll.u32 s6, $0x1;
	s3 =	sadd.s32 s4, s19  }
0x9c: {  	s7 =	simm.s32 $0x0;
	s20 =	sshll.u32 s5, $0x1;
	s5 =	sadd.s32 s21, s3  }
0x9d: {  	[timem:s7], [sflag:s22] =	dma.local [hbm:s5], s20  }
0x9e: {  	_ =	swait.ge [sflag:s22], s20  }
0x9f: {  	s4 =	ssub.s32 $0x0, s20;
	[sflag:s22] =	ssyncset.done $0x0  }
0xa0: {  	[sflag:s22] =	ssyncadd.s32 s4;
	_ =	sdelay $0x1  }
0xa1: {  	s23 =	simm.s32 $0x1B8B  }
0xa2: {  	_ =	swait.ge [sflag:s23], $0x1  }
0xa3: {  	[sflag:s23] =	ssyncset.done $0x0  }
0xa4: {  	s25 =	simm.s32 $0x1B8E;
	s24 =	sld [smem:$0x3FFE];
	[sflag:s23] =	ssyncadd.s32 $0xFFFFFFFF  }
0xa5: {  	s26 =	simm.s32 $execute0_lowered;
	[smem:$0x3FD2] =	sst s25  }
0xa6: {  	s5 =	sshll.u32 s26, $0x1;
	_ =	strace $0x80000046;
	[dreg:$0x1] =	wrdreg $0xFFFFFFFF  }
0xa7: {  	s28 =	simm.s32 $_size_execute0_lowered;
	s3 =	sadd.s32 s3, s5;
	[dreg:$0x0] =	wrdreg $0x0  }
0xa8: {  	s5 =	sshll.u32 s28, $0x1;
	[dreg:$0x2] =	wrdreg s3  }
0xa9: {  	[dreg:$0x3] =	wrdreg s5  }
0xaa: {  	[dreg:$0x4] =	wrdreg $0xC0  }
0xab: {  	_ =	task [dreg:s7], $0x5FFFF  }
0xac: {  	[dreg:$0x1] =	wrdreg $0xFFFFFFFF  }
0xad: {  	[dreg:$0x0] =	wrdreg $0x60  }
0xae: {  	[dreg:$0x2] =	wrdreg s24  }
0xaf: {  	[dreg:$0x3] =	wrdreg s2  }
0xb0: {  	[dreg:$0x4] =	wrdreg $0x9  }
0xb1: {  	_ =	task.clear_ibuf [dreg:s7], $0x5FFFF;
	_ =	strace $0x90000046  }
0xb2: {  	s29 =	simm.s32 $0x9;
	_ =	strace $0x80000048  }
0xb3: {  	_ =	swait.ge [sflag:s29], $0x1  }
0xb4: {  	[sflag:s29] =	ssyncadd.s32 $0xFFFFFFFF  }
0xb5: {  	_ =	strace $0x90000048  }
0xb6: {  	_ =	sfence  }
0xb7: {  	s30 =	sld [smem:$0x0];
	_ =	sdelay $0x2  }
0xb8: {  	s31 =	sshll.u32 s1, $0xD;
	s1 =	sshrl.u32 s1, $0x2  }
0xb9: {  	s3 =	sand.u32 $0x4000, s31;
	s1 =	sadd.s32 s1, s30  }
0xba: {  	s0 =	sor.u32 s3, s0;
	s1 =	sshll.u32 s1, $0x11  }
0xbb: {  	s0 =	sor.u32 s1, s0  }
0xbc: {  	s0 =	sadd.s32 $0x8F2B, s0  }
0xbd: {  	[sflag:s0] =	ssyncadd.remote.s32 $0x1  }
0xbe: {  	_ =	sfence.sel $0xFFFF  }
0xbf: {  	[dreg:$0x0] =	wrdreg $0xFFFFFFFF;
	(pc) =	sbr.abs _section_cstart, $3  }
0xc0: {  	[dreg:$0x1] =	wrdreg $0xFFFFFFFF  }
0xc1: {  	_ =	task.clear_ibuf [dreg:s7], $0x2FFFF;
	_ =	strace $0x9FFFFFFF  }
0xc2: {  	(tm) =	ssettm $0x7FFFFFFF  }
0xc3: {  	_ =	shalt  }
tec
execute0_lowered:
.L_overlay_start_1:
0x0: {  	(tag) =	ssettag $0x1  }
0x1: {  	s0 =	rddreg [dreg:$0x0]  }
0x2: {  	s1 =	rddreg [dreg:$0x1]  }
0x3: {  	s2 =	srdreg.scid;
	s19 =	simm.s32 $0x0;
	s9 =	stileid.u32  }
0x4: {  	s21 =	simm.s32 $0x10;
	s22 =	simm.s32 $0xC580;
	s28 =	simm.s32 $0xC780  }
0x5: {  	s29 =	simm.s32 $0xC700;
	s30 =	simm.s32 $0xC800;
	s2 =	sand.u32 $0x1, s2  }
0x6: {  	s31 =	simm.s32 $0xC880;
	[smem:$0x7FF] =	sst s19;
	s10 =	smul.u32 $0x2710, s2  }
0x7: {  	s4 =	sadd.s32 $0x2000, s0;
	s3 =	sshll.u32 s2, $0x4;
	s20 =	smul.u32 $0x27100, s2  }
0x8: {  	s8 =	ssub.s32 $0x2, s2;
	s11 =	sxor.u32 $0x1, s2;
	s2 =	smul.u32 $0x9C40, s2  }
0x9: {  	s5 =	sadd.s32 $0x15A00, s0;
	s3 =	sor.u32 s9, s3;
	s9 =	smul.u32 $0x4E20, s9  }
0xa: {  	_ =	strace $0x80000047;
	s15 =	sshrl.u32 s8, $0x1;
	s13 =	smul.u32 $0x2710, s11  }
0xb: {  	s24 =	smul.u32 $0x9C40, s11;
	s6 =	sshll.u32 s3, $0x1;
	s7 =	sshll.u32 s3, $0x8  }
0xc: {  	s12 =	sadd.s32 $0x2700, s10;
	s14 =	sand.u32 $0x70, s10;
	s3 =	smul.u32 $0x4E2, s3  }
0xd: {  	s2 =	sshrl.u32 s2, $0x2;
	s6 =	sadd.s32 s6, s0;
	s0 =	sadd.s32 s7, s0  }
0xe: {  	s7 =	ssub.s32 s8, s15;
	s16 =	sshrl.u32 s9, $0x3;
	[dreg:$0x3] =	wrdreg s13  }
0xf: {  	s17 =	sand.u32 $0x7F80, s12;
	s12 =	sadd.s32 s9, s12;
	s2 =	sadd.s32 $0x20, s2  }
0x10: {  	s26 =	sadd.s32 s10, s9;
	s18 =	sor.u32 s14, s17;
	[dreg:$0xb] =	wrdreg s2  }
0x11: {  	s9 =	simm.s32 $0x2;
	s3 =	sadd.s32 s5, s3;
	[dreg:$0x5] =	wrdreg s18  }
0x12: {  	s8 =	sadd.s32 s4, s16;
	s23 =	sadd.s32 $0x1F800, s6;
	[dreg:$0x6] =	wrdreg s3  }
0x13: {  	s0 =	sadd.s32 $0x1FA00, s0;
	s25 =	smax.u32 s7, $0x1;
	[dreg:$0x7] =	wrdreg s23  }
0x14: {  	s16 =	simm.s32 $0x1;
	s17 =	simm.s32 $0x4E80;
	[dreg:$0x8] =	wrdreg s0  }
.Ltmp0:
0x15: {  	s8 =	sadd.s32 $0x9C40, s8;
	[dreg:$0x9] =	wrdreg s25;
	(pc) =	sbr.rel .LBB2_1-.Ltmp0, $4  }
0x16: {  	s3 =	sadd.s32 $0x30, s26;
	s0 =	sshrl.u32 s24, $0x2;
	s18 =	simm.s32 $0x7600  }
0x17: {  	v0 =	vlaneseq.u32;
	s23 =	simm.s32 $0xC500;
	s24 =	simm.s32 $0xC600;
	[dreg:$0x4] =	wrdreg s8  }
0x18: {  	v3 =	vimm.f32 $0.0e+00;
	v4 =	vimm.f32 $1.000000000e+00;
	v6 =	vmul.u32 $0x80, v0;
	s25 =	simm.s32 $0x80;
	s26 =	simm.s32 $0xC680;
	[dreg:$0xa] =	wrdreg s3  }
0x19: {  	v5 =	vimm.s32 $0x0;
	v2 =	vmov s20;
	v1 =	vor.u32 s12, v0;
	s15 =	sadd.s32 $0x80, s0;
	s0 =	simm.s32 $0xD080;
	s3 =	simm.s32 $0x0  }
.LBB2_13:
0x1a: {  	s19 =	simm.s32 $0x0;
	s2 =	rddreg [dreg:$0x8];
	s9 =	simm.s32 $0x2  }
0x1b: {  	[hbm4b:s2+s19] =	stream.linear.scatter [tilespmem:s0], [sflag:$0x2], $0x800, $0x38;
	[tilespmem:$0xD900] =	vst v63  }
0x1c: {  	_ =	swait.ge [sflag:s9], $0x800  }
0x1d: {  	s3 =	rddreg [dreg:$0xc]  }
0x1e: {  	s20 =	rddreg [dreg:$0x9];
	s3 =	sadd.s32 $0x1, s3  }
0x1f: {  	p0 =	sne.s32 s3, s20  }
.Ltmp1:
0x20: {  	_ = 	snop;
	(pc) =	sbr.rel @!p0 .LBB2_14-.Ltmp1, $3  }
0x21: {  	_ =	sdelay $0x1  }
0x22: {  	[sflag:s9] =	ssyncset.done $0x0  }
0x23: {  	[sflag:s9] =	ssyncadd.s32 $0xFFFFF800  }
.LBB2_1:
0x24: {  	s2 =	rddreg [dreg:$0x4]  }
0x25: {  	[tilespmem:s19], [sflag:$0x1] =	stream.linear.gather [hbm4b:s2+s19], $0x4E20, $0x38;
	[tilespmem:$0xD900] =	vst v63  }
0x26: {  	[dreg:$0xc] =	wrdreg s3;
	s2 =	simm.s32 $0x4EC0  }
0x27: {  	[tilespmem:s2+$0xFFFFFFC0] =	vst v3  }
0x28: {  	[tilespmem:s2+$0x30] =	vst v3  }
0x29: {  	[tilespmem:s2+$0x20] =	vst v3  }
0x2a: {  	[tilespmem:s2+$0x10] =	vst v3  }
0x2b: {  	[tilespmem:s2+$0x0] =	vst v3  }
0x2c: {  	[tilespmem:s2+$0xFFFFFFF0] =	vst v3  }
0x2d: {  	s3 =	simm.s32 $0x0;
	[tilespmem:s2+$0xFFFFFFE0] =	vst v3  }
.LBB2_2:
0x2e: {  	s3 =	sadd.s32 $0x8, s3;
	[tilespmem:s2+$0xFFFFFFD0] =	vst v3;
	s2 =	sadd.s32 $0x80, s2  }
0x2f: {  	[tilespmem:s2+$0xFFFFFFC0] =	vst v3;
	p0 =	slt.u32 s3, $0x268  }
0x30: {  	[tilespmem:s2+$0x30] =	vst v3  }
.Ltmp2:
0x31: {  	[tilespmem:s2+$0x20] =	vst v3;
	(pc) =	sbr.rel @p0 .LBB2_2-.Ltmp2, $4  }
0x32: {  	[tilespmem:s2+$0x10] =	vst v3  }
0x33: {  	[tilespmem:s2+$0x0] =	vst v3  }
0x34: {  	[tilespmem:s2+$0xFFFFFFF0] =	vst v3  }
0x35: {  	[tilespmem:s2+$0xFFFFFFE0] =	vst v3  }
0x36: {  	[tilespmem:s2+$0xFFFFFFD0] =	vst v3  }
0x37: {  	s2 =	simm.s32 $0xD0C0;
	[tilespmem:$0x7580] =	vst v3  }
0x38: {  	[tilespmem:s2+$0xFFFFFFC0] =	vst v3  }
0x39: {  	[tilespmem:s2+$0x30] =	vst v3  }
0x3a: {  	[tilespmem:s2+$0x20] =	vst v3  }
0x3b: {  	[tilespmem:s2+$0x10] =	vst v3  }
0x3c: {  	[tilespmem:s2+$0x0] =	vst v3  }
0x3d: {  	[tilespmem:s2+$0xFFFFFFF0] =	vst v3  }
0x3e: {  	s3 =	simm.s32 $0x0;
	[tilespmem:s2+$0xFFFFFFE0] =	vst v3  }
.LBB2_4:
0x3f: {  	s3 =	sadd.s32 $0x8, s3;
	[tilespmem:s2+$0xFFFFFFD0] =	vst v3;
	s2 =	sadd.s32 $0x80, s2  }
0x40: {  	[tilespmem:s2+$0xFFFFFFC0] =	vst v3;
	p0 =	slt.u32 s3, $0x80  }
0x41: {  	[tilespmem:s2+$0x30] =	vst v3  }
.Ltmp3:
0x42: {  	[tilespmem:s2+$0x20] =	vst v3;
	(pc) =	sbr.rel @p0 .LBB2_4-.Ltmp3, $4  }
0x43: {  	[tilespmem:s2+$0x10] =	vst v3  }
0x44: {  	[tilespmem:s2+$0x0] =	vst v3  }
0x45: {  	[tilespmem:s2+$0xFFFFFFF0] =	vst v3  }
0x46: {  	[tilespmem:s2+$0xFFFFFFE0] =	vst v3  }
0x47: {  	[tilespmem:s2+$0xFFFFFFD0] =	vst v3  }
0x48: {  	_ =	swait.ge [sflag:s16], $0x4E20  }
0x49: {  	[sflag:s16] =	ssyncset.done $0x0  }
0x4a: {  	s19 =	rddreg [dreg:$0xb];
	[sflag:s16] =	ssyncadd.s32 $0xFFFFB1E0  }
0x4b: {  	v13 =	vld [tilespmem:s19+$0xFFFFFFE0]  }
0x4c: {  	v14 =	vld [tilespmem:s19+$0x10]  }
0x4d: {  	v7 =	vld [tilespmem:s19+$0x0]  }
0x4e: {  	v8 =	vld [tilespmem:s19+$0xFFFFFFF0];
	_ =	sdelay $0x1  }
0x4f: {  	vm0 =	vlt.s32 v13, $0x10  }
0x50: {  	vm2 =	vlt.s32 v14, $0x10;
	v9 =	vsel vm0, $0x1, v5  }
0x51: {  	vm1 =	vlt.s32 v7, $0x10;
	v10 =	vsel vm2, $0x1, v5;
	(xrf0) =	vadd.scan.msk.s32 $0xffff, v9  }
0x52: {  	vm3 =	vlt.s32 v8, $0x10;
	v11 =	vmpcnt.ones.xlane vm0;
	v9 =	vsel vm1, $0x1, v5;
	(xrf0) =	vadd.scan.msk.s32 $0xffff, v10  }
0x53: {  	v12 =	vsel vm3, $0x1, v5;
	v10 =	vimm.s32 $0x0;
	(xrf0) =	vadd.scan.msk.s32 $0xffff, v9  }
0x54: {  	(xrf0) =	vadd.scan.msk.s32 $0xffff, v12;
	v12 =	vadd.s32 v10, v11;
	v11 =	vmpcnt.ones.xlane vm1  }
0x55: {  	v15 =	vmpcnt.ones.xlane vm3;
	vm5 =	vmmov vm2;
	[tilespmem:v7+s17+$0x0] =	vst.idx.add.f32.msk $0xffff, v4  }
0x56: {  	s3 =	sadd.s32 $0x40, s19;
	vm6 =	vmmov vm0;
	v16 =	vmpcnt.ones.xlane vm5;
	[tilespmem:v8+s17+$0x0] =	vst.idx.add.f32.msk $0xffff, v4  }
0x57: {  	v7 =	vld [tilespmem:s3+$0xFFFFFFE0];
	v9 =	vsel vm0, $0xFFFFFFFF, v5;
	vm0 =	vmmov vm3;
	v15 =	vadd.s32 v12, v15  }
0x58: {  	v8 =	vld [tilespmem:s3+$0x10];
	v9 =	vadd.s32 v9, v10;
	v10 =	vsel vm5, $0xFFFFFFFF, v5;
	v17 =	vadd.s32 v15, v11;
	v11, _, _ =	vpop (xrf0)  }
0x59: {  	[tilespmem:v13+s17+$0x0] =	vst.idx.add.f32.msk $0xffff, v4;
	v18 =	vadd.s32 v11, v9;
	v9 =	vsel vm1, $0xFFFFFFFF, v5;
	v11 =	vadd.s32 v10, v17;
	v19, _, _ =	vpop (xrf0)  }
0x5a: {  	s8 =	rddreg [dreg:$0xa];
	v20 =	vsel vm0, $0xFFFFFFFF, v5;
	v10 =	vld [tilespmem:s3+$0x0];
	v9 =	vadd.s32 v9, v15;
	v15 =	vadd.s32 v19, v11  }
0x5b: {  	vm2 =	vmmov vm1;
	s20 =	sadd.s32 $0xFFFFFFD0, s8;
	v20 =	vadd.s32 v20, v12;
	v11 =	vld [tilespmem:s3+$0xFFFFFFF0]  }
0x5c: {  	v12 =	vadd.s32 v17, v16;
	vm3 =	vlt.s32 v7, $0x10;
	v16 =	vor.u32 s20, v0;
	v19, _, _ =	vpop (xrf0)  }
0x5d: {  	[tilespmem:v14+s17+$0x0] =	vst.idx.add.f32.msk $0xffff, v4;
	vm4 =	vlt.s32 v8, $0x10;
	v14 =	vmpcnt.ones.xlane vm3;
	v9 =	vadd.s32 v19, v9;
	v19, _, _ =	vpop (xrf0)  }
0x5e: {  	v17 =	vor.u32 s8, v0;
	v13 =	vadd.s32 v19, v20;
	v19 =	vsel vm3, $0x1, v5;
	[tilespmem:v18+s18+$0x0] =	vst.idx.msk vm6, v16  }
0x5f: {  	s6 =	sadd.s32 $0xFFFFFFE0, s8;
	(xrf0) =	vadd.scan.msk.s32 $0xffff, v19;
	vm1 =	vlt.s32 v10, $0x10;
	v18 =	vsel vm4, $0x1, v5;
	[tilespmem:v15+s18+$0x0] =	vst.idx.msk vm5, v17  }
0x60: {  	s7 =	simm.s32 $0x4;
	s2 =	sadd.s32 $0xFFFFFFF0, s8;
	vm7 =	vlt.s32 v11, $0x10;
	v16 =	vsel vm1, $0x1, v5;
	(xrf0) =	vadd.scan.msk.s32 $0xffff, v18;
	v15 =	vor.u32 s6, v0;
	s6 =	smov.u32 s8  }
.LBB2_6:
0x61: {  	s7 =	sadd.s32 $0x4, s7;
	v17 =	vsel vm3, $0xFFFFFFFF, v5;
	v18 =	vsel vm7, $0x1, v5;
	(xrf0) =	vadd.scan.msk.s32 $0xffff, v16;
	v16 =	vor.u32 s2, v0;
	s6 =	sadd.s32 $0x40, s6  }
0x62: {  	v19 =	vmpcnt.ones.xlane vm7;
	vm6 =	vmmov vm3;
	p0 =	slt.u32 s7, $0x26C;
	[tilespmem:v10+s17+$0x0] =	vst.idx.add.f32.msk $0xffff, v4;
	(xrf0) =	vadd.scan.msk.s32 $0xffff, v18  }
0x63: {  	v14 =	vadd.s32 v12, v14;
	vm5 =	vmmov vm4;
	v10 =	vmpcnt.ones.xlane vm1;
	[tilespmem:v11+s17+$0x0] =	vst.idx.add.f32.msk $0xffff, v4  }
0x64: {  	s3 =	sadd.s32 $0x40, s3;
	v18 =	vmpcnt.ones.xlane vm5;
	v11 =	vadd.s32 v14, v19;
	[tilespmem:v13+s18+$0x0] =	vst.idx.msk vm0, v15;
	vm0 =	vmmov vm7  }
0x65: {  	v22 =	vadd.s32 v17, v12;
	v13 =	vadd.s32 v11, v10;
	v10 =	vsel vm5, $0xFFFFFFFF, v5;
	v15 =	vld [tilespmem:s3+$0xFFFFFFE0];
	v17, _, _ =	vpop (xrf0);
	[tilespmem:v9+s18+$0x0] =	vst.idx.msk vm2, v16  }
0x66: {  	v9 =	vsel vm1, $0xFFFFFFFF, v5;
	v21 =	vadd.s32 v10, v13;
	v16 =	vld [tilespmem:s3+$0x10];
	v17 =	vadd.s32 v17, v22;
	v19, _, _ =	vpop (xrf0)  }
0x67: {  	v20 =	vsel vm0, $0xFFFFFFFF, v5;
	v9 =	vadd.s32 v9, v11;
	v10 =	vld [tilespmem:s3+$0x0];
	v19 =	vadd.s32 v19, v21;
	v12, _, _ =	vpop (xrf0)  }
0x68: {  	v14 =	vadd.s32 v20, v14;
	v11 =	vld [tilespmem:s3+$0xFFFFFFF0];
	v9 =	vadd.s32 v12, v9;
	v12 =	vadd.s32 v13, v18;
	v13, _, _ =	vpop (xrf0)  }
.Ltmp4:
0x69: {  	s2 =	sadd.s32 $0xFFFFFFD0, s6;
	vm2 =	vmmov vm1;
	[tilespmem:v7+s17+$0x0] =	vst.idx.add.f32.msk $0xffff, v4;
	v13 =	vadd.s32 v13, v14;
	(pc) =	sbr.rel @p0 .LBB2_6-.Ltmp4, $4  }
0x6a: {  	v20 =	vor.u32 s6, v0;
	v18 =	vor.u32 s2, v0;
	vm3 =	vlt.s32 v15, $0x10;
	[tilespmem:v8+s17+$0x0] =	vst.idx.add.f32.msk $0xffff, v4;
	v7 =	vmovc v15  }
0x6b: {  	s2 =	sadd.s32 $0xFFFFFFF0, s6;
	v15 =	vsel vm3, $0x1, v5;
	v14 =	vmpcnt.ones.xlane vm3;
	vm4 =	vlt.s32 v16, $0x10;
	[tilespmem:v17+s18+$0x0] =	vst.idx.msk vm6, v18;
	v8 =	vmovc v16  }
0x6c: {  	s8 =	sadd.s32 $0xFFFFFFE0, s6;
	vm1 =	vlt.s32 v10, $0x10;
	v17 =	vsel vm4, $0x1, v5;
	(xrf0) =	vadd.scan.msk.s32 $0xffff, v15;
	[tilespmem:v19+s18+$0x0] =	vst.idx.msk vm5, v20  }
0x6d: {  	v15 =	vor.u32 s8, v0;
	vm7 =	vlt.s32 v11, $0x10;
	v16 =	vsel vm1, $0x1, v5;
	(xrf0) =	vadd.scan.msk.s32 $0xffff, v17  }
0x6e: {  	v17 =	vsel vm7, $0x1, v5;
	(xrf0) =	vadd.scan.msk.s32 $0xffff, v16  }
0x6f: {  	v48 =	vsel vm3, $0xFFFFFFFF, v5;
	v49 =	vor.u32 s2, v0;
	v18 =	vmpcnt.ones.xlane vm7;
	(xrf0) =	vadd.scan.msk.s32 $0xffff, v17  }
0x70: {  	vm5 =	vmmov vm3;
	v14 =	vadd.s32 v12, v14;
	v19 =	vmpcnt.ones.xlane vm1  }
0x71: {  	vm13 =	vmmov vm4;
	vm14 =	vmmov vm7;
	v18 =	vadd.s32 v14, v18  }
0x72: {  	[tilespmem:v10+s17+$0x0] =	vst.idx.add.f32.msk $0xffff, v4;
	v50 =	vadd.s32 v48, v12;
	v52 =	vsel vm13, $0xFFFFFFFF, v5;
	v51 =	vadd.s32 v18, v19;
	v20, _, _ =	vpop (xrf0)  }
0x73: {  	[tilespmem:v11+s17+$0x0] =	vst.idx.add.f32.msk $0xffff, v4;
	v11 =	vsel vm1, $0xFFFFFFFF, v5;
	v54 =	vadd.s32 v52, v51;
	v53, _, _ =	vpop (xrf0);
	v10 =	vadd.s32 v20, v50  }
0x74: {  	v55 =	vsel vm14, $0xFFFFFFFF, v5;
	[tilespmem:v9+s18+$0x0] =	vst.idx.msk vm2, v49;
	v9 =	vadd.s32 v11, v18;
	v56, _, _ =	vpop (xrf0);
	v12 =	vadd.s32 v53, v54  }
0x75: {  	[tilespmem:v13+s18+$0x0] =	vst.idx.msk vm0, v15;
	s14 =	sadd.s32 $0x40, s6;
	v14 =	vadd.s32 v55, v14;
	v57, _, _ =	vpop (xrf0);
	v9 =	vadd.s32 v56, v9  }
0x76: {  	[tilespmem:v7+s17+$0x0] =	vst.idx.add.f32.msk $0xffff, v4;
	s3 =	sadd.s32 $0xFFFFFFD0, s14;
	v11 =	vadd.s32 v57, v14  }
0x77: {  	[tilespmem:v8+s17+$0x0] =	vst.idx.add.f32.msk $0xffff, v4;
	v7 =	vor.u32 s3, v0  }
0x78: {  	v8 =	vor.u32 s14, v0;
	s2 =	sadd.s32 $0xFFFFFFF0, s14;
	[tilespmem:v10+s18+$0x0] =	vst.idx.msk vm5, v7  }
0x79: {  	s19 =	sadd.s32 $0xFFFFFFE0, s14;
	[tilespmem:v12+s18+$0x0] =	vst.idx.msk vm13, v8;
	v8 =	vor.u32 s2, v0  }
0x7a: {  	v7 =	vor.u32 s19, v0;
	[tilespmem:v9+s18+$0x0] =	vst.idx.msk vm1, v8  }
0x7b: {  	[tilespmem:v11+s18+$0x0] =	vst.idx.msk vm7, v7  }
0x7c: {  	s20 =	rddreg [dreg:$0x5]  }
0x7d: {  	v8 =	vld [tilespmem:s20+$0x0];
	_ =	sdelay $0x4  }
0x7e: {  	vm0 =	vlt.s32 v8, $0x10  }
0x7f: {  	v7 =	vsel vm0, $0x1, v5  }
0x80: {  	(xrf0) =	vadd.scan.msk.s32 $0xffff, v7;
	_ =	sdelay $0x2  }
0x81: {  	v7 =	vmpcnt.ones.xlane vm13;
	_ =	sdelay $0x1  }
0x82: {  	v9 =	vsel vm0, $0xFFFFFFFF, v5;
	v7 =	vadd.s32 v51, v7  }
0x83: {  	v9 =	vadd.s32 v9, v7;
	v10, _, _ =	vpop (xrf0)  }
0x84: {  	v9 =	vadd.s32 v10, v9;
	_ =	sdelay $0x3  }
0x85: {  	[tilespmem:v8+s17+$0x0] =	vst.idx.add.f32.msk $0xffff, v4  }
0x86: {  	[tilespmem:v9+s18+$0x0] =	vst.idx.msk vm0, v1  }
0x87: {  	v8 =	vld [tilespmem:s15+$0x30]  }
0x88: {  	v10 =	vld [tilespmem:s15+$0x40]  }
0x89: {  	v9 =	vld [tilespmem:s15+$0xFFFFFF80]  }
0x8a: {  	v11 =	vld [tilespmem:s15+$0x70]  }
0x8b: {  	v12 =	vld [tilespmem:s15+$0xFFFFFFD0]  }
0x8c: {  	v58 =	vld [tilespmem:s15+$0xFFFFFFE0]  }
0x8d: {  	v59 =	vld [tilespmem:s15+$0xFFFFFFF0]  }
0x8e: {  	v60 =	vld [tilespmem:s15+$0x0]  }
0x8f: {  	v61 =	vld [tilespmem:s15+$0x60]  }
0x90: {  	v17 =	vld [tilespmem:s15+$0x50]  }
0x91: {  	v62 =	vld [tilespmem:s15+$0x20]  }
0x92: {  	v63 =	vld [tilespmem:s15+$0x10]  }
0x93: {  	[tilespmem:v9+s17+$0x0] =	vst.idx.add.f32.msk $0xffff, v4  }
0x94: {  	[tilespmem:v11+s17+$0x0] =	vst.idx.add.f32.msk $0xffff, v4  }
0x95: {  	v9 =	vld [tilespmem:s15+$0xFFFFFF90]  }
0x96: {  	v11 =	vld [tilespmem:s15+$0xFFFFFFA0]  }
0x97: {  	[tilespmem:v61+s17+$0x0] =	vst.idx.add.f32.msk $0xffff, v4  }
0x98: {  	[tilespmem:v17+s17+$0x0] =	vst.idx.add.f32.msk $0xffff, v4  }
0x99: {  	[tilespmem:v10+s17+$0x0] =	vst.idx.add.f32.msk $0xffff, v4  }
0x9a: {  	[tilespmem:v8+s17+$0x0] =	vst.idx.add.f32.msk $0xffff, v4  }
0x9b: {  	v8 =	vld [tilespmem:s15+$0xFFFFFFC0]  }
0x9c: {  	v10 =	vld [tilespmem:s15+$0xFFFFFFB0]  }
0x9d: {  	[tilespmem:v62+s17+$0x0] =	vst.idx.add.f32.msk $0xffff, v4  }
0x9e: {  	[tilespmem:v63+s17+$0x0] =	vst.idx.add.f32.msk $0xffff, v4  }
0x9f: {  	[tilespmem:v60+s17+$0x0] =	vst.idx.add.f32.msk $0xffff, v4  }
0xa0: {  	[tilespmem:v59+s17+$0x0] =	vst.idx.add.f32.msk $0xffff, v4  }
0xa1: {  	[tilespmem:v58+s17+$0x0] =	vst.idx.add.f32.msk $0xffff, v4  }
0xa2: {  	[tilespmem:v12+s17+$0x0] =	vst.idx.add.f32.msk $0xffff, v4  }
0xa3: {  	[tilespmem:v8+s17+$0x0] =	vst.idx.add.f32.msk $0xffff, v4  }
0xa4: {  	[tilespmem:v10+s17+$0x0] =	vst.idx.add.f32.msk $0xffff, v4  }
0xa5: {  	vm15 =	vmmov vm1;
	s6 =	smov.u32 s15;
	s3 =	simm.s32 $0x0;
	v8 =	vmpcnt.ones.xlane vm0;
	[tilespmem:v11+s17+$0x0] =	vst.idx.add.f32.msk $0xffff, v4  }
.LBB2_8:
0xa6: {  	s3 =	sadd.s32 $0x10, s3;
	[tilespmem:v9+s17+$0x0] =	vst.idx.add.f32.msk $0xffff, v4;
	s6 =	sadd.s32 $0x100, s6  }
0xa7: {  	v10 =	vld [tilespmem:s6+$0x30];
	p0 =	slt.u32 s3, $0x260  }
0xa8: {  	v11 =	vld [tilespmem:s6+$0x40]  }
0xa9: {  	v9 =	vld [tilespmem:s6+$0xFFFFFF80]  }
0xaa: {  	v12 =	vld [tilespmem:s6+$0x70]  }
0xab: {  	v13 =	vld [tilespmem:s6+$0xFFFFFFD0]  }
0xac: {  	v14 =	vld [tilespmem:s6+$0xFFFFFFE0]  }
0xad: {  	v15 =	vld [tilespmem:s6+$0xFFFFFFF0]  }
0xae: {  	v16 =	vld [tilespmem:s6+$0x0]  }
0xaf: {  	v17 =	vld [tilespmem:s6+$0x60]  }
0xb0: {  	v18 =	vld [tilespmem:s6+$0x50]  }
0xb1: {  	[tilespmem:v9+s17+$0x0] =	vst.idx.add.f32.msk $0xffff, v4  }
0xb2: {  	[tilespmem:v12+s17+$0x0] =	vst.idx.add.f32.msk $0xffff, v4  }
0xb3: {  	v9 =	vld [tilespmem:s6+$0xFFFFFF90]  }
0xb4: {  	v12 =	vld [tilespmem:s6+$0xFFFFFFA0]  }
0xb5: {  	v19 =	vld [tilespmem:s6+$0x20]  }
0xb6: {  	v20 =	vld [tilespmem:s6+$0x10]  }
0xb7: {  	[tilespmem:v17+s17+$0x0] =	vst.idx.add.f32.msk $0xffff, v4  }
0xb8: {  	[tilespmem:v18+s17+$0x0] =	vst.idx.add.f32.msk $0xffff, v4  }
0xb9: {  	[tilespmem:v11+s17+$0x0] =	vst.idx.add.f32.msk $0xffff, v4  }
0xba: {  	[tilespmem:v10+s17+$0x0] =	vst.idx.add.f32.msk $0xffff, v4  }
0xbb: {  	v10 =	vld [tilespmem:s6+$0xFFFFFFC0]  }
0xbc: {  	v11 =	vld [tilespmem:s6+$0xFFFFFFB0]  }
0xbd: {  	[tilespmem:v19+s17+$0x0] =	vst.idx.add.f32.msk $0xffff, v4  }
0xbe: {  	[tilespmem:v20+s17+$0x0] =	vst.idx.add.f32.msk $0xffff, v4  }
0xbf: {  	[tilespmem:v16+s17+$0x0] =	vst.idx.add.f32.msk $0xffff, v4  }
0xc0: {  	[tilespmem:v15+s17+$0x0] =	vst.idx.add.f32.msk $0xffff, v4  }
.Ltmp5:
0xc1: {  	[tilespmem:v14+s17+$0x0] =	vst.idx.add.f32.msk $0xffff, v4;
	(pc) =	sbr.rel @p0 .LBB2_8-.Ltmp5, $4  }
0xc2: {  	[tilespmem:v13+s17+$0x0] =	vst.idx.add.f32.msk $0xffff, v4  }
0xc3: {  	[tilespmem:v10+s17+$0x0] =	vst.idx.add.f32.msk $0xffff, v4  }
0xc4: {  	[tilespmem:v11+s17+$0x0] =	vst.idx.add.f32.msk $0xffff, v4  }
0xc5: {  	[tilespmem:v12+s17+$0x0] =	vst.idx.add.f32.msk $0xffff, v4  }
0xc6: {  	v7 =	vadd.s32 v7, v8  }
0xc7: {  	v7 =	vxor.u32 $0x80000000, v7  }
0xc8: {  	(xrf0) =	vmax.scan.msk.u32 $0xffff, v7;
	_ =	sdelay $0x5  }
0xc9: {  	v7, _, _ =	vpop (xrf0)  }
0xca: {  	(v2sf) =	vpush v7, $0xF;
	_ =	sdelay $0xa  }
0xcb: {  	[tilespmem:v9+s17+$0x0] =	vst.idx.add.f32.msk $0xffff, v4  }
0xcc: {  	s2 =	rddreg [dreg:$0x3]  }
0xcd: {  	v7 =	vld [tilespmem:s2+$0x2700];
	_ =	sdelay $0x1  }
0xce: {  	s14 =	spop (v2sf)  }
0xcf: {  	s20 =	sxor.u32 $0x80000000, s14  }
0xd0: {  	v8 =	vadd.s32 s20, v0;
	_ =	sdelay $0x3  }
0xd1: {  	[tilespmem:v7+s17+$0x0] =	vst.idx.add.f32.msk $0xffff, v4  }
0xd2: {  	[tilespmem:v8+s18+$0x0] =	vst.idx.msk $0xffff, v0  }
0xd3: {  	v7 =	vld [tilespmem:$0x4E80];
	_ =	sdelay $0x4  }
0xd4: {  	s3 =	simm.s32 $0x0;
	s6 =	rddreg [dreg:$0x6];
	[tilespmem:$0xC480] =	vst v7  }
0xd5: {  	[hbm4b:s6+s3] =	stream.linear.scatter [tilespmem:s17], [sflag:$0x2], $0x2710, $0x38;
	[tilespmem:$0xD900] =	vst v63  }
0xd6: {  	s2 =	sadd.s32 $0x8000000F, s14;
	_ =	swait.ge [sflag:s9], $0x2710  }
0xd7: {  	s7 =	simm.s32 $0xC480;
	s6 =	sshra.s32 s2, $0x4;
	[sflag:s9] =	ssyncset.done $0x0  }
0xd8: {  	p0 =	slt.s32 s6, $0x1;
	s19 =	rddreg [dreg:$0x7];
	[sflag:s9] =	ssyncadd.s32 $0xFFFFD8F0  }
0xd9: {  	[hbm4b:s19+s3] =	stream.linear.scatter [tilespmem:s7], [sflag:$0x2], $0x10, $0x38;
	[tilespmem:$0xD900] =	vst v63  }
.Ltmp6:
0xda: {  	_ =	swait.ge [sflag:s9], $0x10;
	(pc) =	sbr.rel @p0 .LBB2_13-.Ltmp6, $4  }
0xdb: {  	[sflag:s9] =	ssyncset.done $0x0  }
0xdc: {  	[sflag:s9] =	ssyncadd.s32 $0xFFFFFFF0  }
0xdd: {  	[bflag:$0x0] =	sbarrier.arrive $0xFFFF  }
0xde: {  	s7 =	simm.s32 $0x0  }
.LBB2_10:
0xdf: {  	s8 =	sshll.u32 s7, $0x4  }
0xe0: {  	v7 =	vld [tilespmem:s8+$0x7600];
	_ =	sdelay $0x4  }
0xe1: {  	v7 =	vadd.s32 $0x4E200, v7  }
0xe2: {  	s2 =	sadd.s32 $0x7600, s8;
	[tilespmem:$0xC500] =	vst v7  }
0xe3: {  	[tilespmem:s22], [sflag:$0x1] =	stream.indirect.gather [hbm4b:s4+s21], $0x1, s2, s21, $0xb8;
	[tilespmem:$0xD900] =	vst v63  }
0xe4: {  	_ = 	snop  }
0xe5: {  	[tilespmem:s24], [sflag:$0x1] =	stream.indirect.gather [hbm4b:s4+s21], $0x1, s23, s21, $0xb8;
	[tilespmem:$0xD900] =	vst v63  }
0xe6: {  	_ =	swait.ge [sflag:s16], $0x10  }
0xe7: {  	[sflag:s16] =	ssyncset.done $0x0  }
0xe8: {  	[sflag:s16] =	ssyncadd.s32 $0xFFFFFFF0  }
0xe9: {  	_ =	swait.ge [sflag:s16], $0x10  }
0xea: {  	[sflag:s16] =	ssyncset.done $0x0  }
0xeb: {  	[sflag:s16] =	ssyncadd.s32 $0xFFFFFFF0  }
0xec: {  	v7 =	vld [tilespmem:$0xC580];
	_ =	sdelay $0x4  }
0xed: {  	v7 =	vadd.s32 v2, v7  }
0xee: {  	[tilespmem:$0xC680] =	vst v7;
	v8 =	vadd.s32 $0x2710, v7  }
0xef: {  	[tilespmem:$0xC690] =	vst v8;
	v8 =	vadd.s32 $0x4E20, v7  }
0xf0: {  	[tilespmem:$0xC6A0] =	vst v8;
	v8 =	vadd.s32 $0x7530, v7  }
0xf1: {  	[tilespmem:$0xC6B0] =	vst v8;
	v8 =	vadd.s32 $0x9C40, v7  }
0xf2: {  	[tilespmem:$0xC6C0] =	vst v8;
	v8 =	vadd.s32 $0xC350, v7  }
0xf3: {  	[tilespmem:$0xC6D0] =	vst v8;
	v8 =	vadd.s32 $0xEA60, v7  }
0xf4: {  	[tilespmem:$0xC6E0] =	vst v8;
	v8 =	vadd.s32 $0x11170, v7  }
0xf5: {  	[tilespmem:$0xC6F0] =	vst v8;
	v8 =	vadd.s32 $0x13880, v7  }
0xf6: {  	[tilespmem:$0xC700] =	vst v8;
	v8 =	vadd.s32 $0x15F90, v7  }
0xf7: {  	[tilespmem:$0xC710] =	vst v8;
	v8 =	vadd.s32 $0x186A0, v7  }
0xf8: {  	[tilespmem:$0xC720] =	vst v8;
	v8 =	vadd.s32 $0x1ADB0, v7  }
0xf9: {  	[tilespmem:$0xC730] =	vst v8;
	v8 =	vadd.s32 $0x1D4C0, v7  }
0xfa: {  	[tilespmem:$0xC740] =	vst v8;
	v8 =	vadd.s32 $0x1FBD0, v7  }
0xfb: {  	[tilespmem:$0xC750] =	vst v8;
	v8 =	vadd.s32 $0x222E0, v7  }
0xfc: {  	v7 =	vadd.s32 $0x249F0, v7;
	[tilespmem:$0xC760] =	vst v8  }
0xfd: {  	[tilespmem:$0xC770] =	vst v7  }
0xfe: {  	[tilespmem:s28], [sflag:$0x1] =	stream.indirect.gather [hbm4b:s5+s25], $0x1, s26, s25, $0xb8;
	[tilespmem:$0xD900] =	vst v63  }
0xff: {  	_ = 	snop  }
0x100: {  	[tilespmem:s30], [sflag:$0x1] =	stream.indirect.gather [hbm4b:s5+s25], $0x1, s29, s25, $0xb8;
	[tilespmem:$0xD900] =	vst v63  }
0x101: {  	_ = 	snop  }
0x102: {  	[tilespmem:s31], [sflag:$0x1] =	stream.indirect.gather [hbm4b:s1+s21], $0x80, s22, s21, $0xb8;
	[tilespmem:$0xD900] =	vst v63  }
0x103: {  	_ =	swait.ge [sflag:s16], $0x80  }
0x104: {  	[sflag:s16] =	ssyncset.done $0x0  }
0x105: {  	[sflag:s16] =	ssyncadd.s32 $0xFFFFFF80  }
0x106: {  	_ =	swait.ge [sflag:s16], $0x80  }
0x107: {  	[sflag:s16] =	ssyncset.done $0x0  }
0x108: {  	[sflag:s16] =	ssyncadd.s32 $0xFFFFFF80  }
0x109: {  	_ =	swait.ge [sflag:s16], $0x800  }
0x10a: {  	[sflag:s16] =	ssyncset.done $0x0  }
0x10b: {  	[sflag:s16] =	ssyncadd.s32 $0xFFFFF800  }
0x10c: {  	v7 =	vld [tilespmem:$0xC780];
	_ =	sdelay $0x1  }
0x10d: {  	v8 =	vld [tilespmem:$0xC790];
	_ =	sdelay $0x1  }
0x10e: {  	v9 =	vld [tilespmem:$0xC7A0]  }
0x10f: {  	v7 =	vadd.f32 $1.000000000e+00, v7  }
0x110: {  	v10 =	vld [tilespmem:$0xC7B0]  }
0x111: {  	v7 =	vadd.f32 v8, v7  }
0x112: {  	v8 =	vld [tilespmem:$0xC7C0]  }
0x113: {  	v7 =	vadd.f32 v9, v7  }
0x114: {  	v9 =	vld [tilespmem:$0xC7D0]  }
0x115: {  	v7 =	vadd.f32 v10, v7  }
0x116: {  	v10 =	vld [tilespmem:$0xC7E0]  }
0x117: {  	v7 =	vadd.f32 v8, v7  }
0x118: {  	v8 =	vld [tilespmem:$0xC7F0]  }
0x119: {  	v7 =	vadd.f32 v9, v7  }
0x11a: {  	v9 =	vld [tilespmem:$0xC800]  }
0x11b: {  	v7 =	vadd.f32 v10, v7  }
0x11c: {  	v10 =	vld [tilespmem:$0xC810]  }
0x11d: {  	v7 =	vadd.f32 v8, v7  }
0x11e: {  	v8 =	vld [tilespmem:$0xC820]  }
0x11f: {  	v7 =	vadd.f32 v9, v7  }
0x120: {  	v9 =	vld [tilespmem:$0xC830]  }
0x121: {  	v7 =	vadd.f32 v10, v7  }
0x122: {  	v10 =	vld [tilespmem:$0xC840]  }
0x123: {  	v7 =	vadd.f32 v8, v7  }
0x124: {  	v8 =	vld [tilespmem:$0xC850]  }
0x125: {  	v7 =	vadd.f32 v9, v7  }
0x126: {  	v9 =	vld [tilespmem:$0xC860]  }
0x127: {  	v7 =	vadd.f32 v10, v7  }
0x128: {  	v10 =	vld [tilespmem:$0xC870]  }
0x129: {  	v7 =	vadd.f32 v8, v7;
	_ =	sdelay $0x1  }
0x12a: {  	v7 =	vadd.f32 v9, v7;
	_ =	sdelay $0x1  }
0x12b: {  	v7 =	vadd.f32 v10, v7;
	_ =	sdelay $0x1  }
0x12c: {  	v8 =	vshra.s32 v7, $0x1;
	v7 =	vmul.f32 $5.000000000e-01, v7  }
0x12d: {  	v8 =	vsub.s32 $0x5F3759DF, v8  }
0x12e: {  	v9 =	vmul.f32 v8, v7;
	_ =	sdelay $0x1  }
0x12f: {  	v9 =	vmul.f32 v8, v9;
	_ =	sdelay $0x1  }
0x130: {  	v9 =	vsub.f32 $1.500000000e+00, v9;
	_ =	sdelay $0x1  }
0x131: {  	v8 =	vmul.f32 v8, v9;
	_ =	sdelay $0x1  }
0x132: {  	v9 =	vmul.f32 v8, v7;
	_ =	sdelay $0x1  }
0x133: {  	v9 =	vmul.f32 v9, v8;
	_ =	sdelay $0x1  }
0x134: {  	v9 =	vsub.f32 $1.500000000e+00, v9;
	_ =	sdelay $0x1  }
0x135: {  	v8 =	vmul.f32 v9, v8;
	_ =	sdelay $0x1  }
0x136: {  	v7 =	vmul.f32 v8, v7  }
0x137: {  	s9 =	simm.s32 $0x7;
	s19 =	ssub.s32 s20, s8;
	v10 =	vor.u32 s3, v6;
	v9 =	vld [tilespmem:$0xC600]  }
0x138: {  	s12 =	simm.s32 $0x6;
	v16 =	vor.u32 s9, v6;
	v11 =	vmov s19;
	v7 =	vmul.f32 v7, v8  }
0x139: {  	s11 =	simm.s32 $0x5;
	vm0 =	vgt.s32 v11, v0;
	v11 =	vor.u32 s12, v6  }
0x13a: {  	s13 =	simm.s32 $0x4;
	v12 =	vor.u32 s11, v6;
	v7 =	vsub.f32 $1.500000000e+00, v7  }
0x13b: {  	v14 =	vor.u32 s13, v6;
	s19 =	simm.s32 $0x3  }
0x13c: {  	v15 =	vor.u32 s19, v6;
	s2 =	simm.s32 $0x2;
	v7 =	vmul.f32 v7, v8;
	v8 =	vshll.u32 v9, $0x7;
	v9 =	vld.idx.msk [tilespmem:v10+s31+$0x0], $0xffff  }
0x13d: {  	s14 =	simm.s32 $0x1;
	s10 =	simm.s32 $0x8;
	s8 =	simm.s32 $0x0;
	v13 =	vor.u32 s2, v6;
	v10 =	vld.idx.msk [tilespmem:v16+s31+$0x0], $0xffff;
	v8 =	vnsel vm0, $0x800, v8  }
.LBB2_11:
0x13e: {  	p0 =	slt.u32 s10, $0x78;
	v16 =	vor.u32 s14, v6;
	v11 =	vld.idx.msk [tilespmem:v11+s31+$0x0], $0xffff  }
0x13f: {  	v17 =	vor.u32 s8, v8;
	s8 =	smov.u32 s10;
	v12 =	vld.idx.msk [tilespmem:v12+s31+$0x0], $0xffff  }
0x140: {  	v18 =	vor.u32 s9, v8;
	v14 =	vld.idx.msk [tilespmem:v14+s31+$0x0], $0xffff  }
0x141: {  	v19 =	vor.u32 s12, v8;
	v15 =	vld.idx.msk [tilespmem:v15+s31+$0x0], $0xffff  }
0x142: {  	v20 =	vor.u32 s11, v8;
	v9 =	vmul.f32 v9, v7;
	v13 =	vld.idx.msk [tilespmem:v13+s31+$0x0], $0xffff  }
0x143: {  	v21 =	vor.u32 s13, v8;
	v10 =	vmul.f32 v10, v7;
	v16 =	vld.idx.msk [tilespmem:v16+s31+$0x0], $0xffff  }
0x144: {  	v11 =	vmul.f32 v11, v7;
	[tilespmem:v17+s0+$0x0] =	vst.idx.add.f32.msk vm0, v9;
	v9 =	vor.u32 s19, v8  }
0x145: {  	v17 =	vor.u32 s2, v8;
	v12 =	vmul.f32 v12, v7;
	[tilespmem:v18+s0+$0x0] =	vst.idx.add.f32.msk vm0, v10  }
0x146: {  	v10 =	vor.u32 s14, v8;
	v14 =	vmul.f32 v14, v7;
	[tilespmem:v19+s0+$0x0] =	vst.idx.add.f32.msk vm0, v11  }
0x147: {  	s9 =	sadd.s32 $0x7, s10;
	v18 =	vor.u32 s10, v6;
	v15 =	vmul.f32 v15, v7;
	[tilespmem:v20+s0+$0x0] =	vst.idx.add.f32.msk vm0, v12  }
0x148: {  	s12 =	sadd.s32 $0x6, s10;
	v19 =	vor.u32 s9, v6;
	v13 =	vmul.f32 v13, v7;
	[tilespmem:v21+s0+$0x0] =	vst.idx.add.f32.msk vm0, v14  }
.Ltmp7:
0x149: {  	s11 =	sadd.s32 $0x5, s10;
	v11 =	vor.u32 s12, v6;
	v16 =	vmul.f32 v16, v7;
	[tilespmem:v9+s0+$0x0] =	vst.idx.add.f32.msk vm0, v15;
	(pc) =	sbr.rel @p0 .LBB2_11-.Ltmp7, $4  }
0x14a: {  	s13 =	sadd.s32 $0x4, s10;
	v12 =	vor.u32 s11, v6;
	[tilespmem:v17+s0+$0x0] =	vst.idx.add.f32.msk vm0, v13  }
0x14b: {  	s19 =	sadd.s32 $0x3, s10;
	v14 =	vor.u32 s13, v6;
	[tilespmem:v10+s0+$0x0] =	vst.idx.add.f32.msk vm0, v16  }
0x14c: {  	s2 =	sadd.s32 $0x2, s10;
	v15 =	vor.u32 s19, v6;
	v9 =	vld.idx.msk [tilespmem:v18+s31+$0x0], $0xffff  }
0x14d: {  	s14 =	sadd.s32 $0x1, s8;
	s10 =	sadd.s32 $0x8, s10;
	v13 =	vor.u32 s2, v6;
	v10 =	vld.idx.msk [tilespmem:v19+s31+$0x0], $0xffff  }
0x14e: {  	_ =	sdelay $0x3  }
0x14f: {  	v16 =	vor.u32 s14, v6;
	v11 =	vld.idx.msk [tilespmem:v11+s31+$0x0], $0xffff  }
0x150: {  	v17 =	vor.u32 s8, v8;
	v12 =	vld.idx.msk [tilespmem:v12+s31+$0x0], $0xffff  }
0x151: {  	v14 =	vld.idx.msk [tilespmem:v14+s31+$0x0], $0xffff;
	v18 =	vor.u32 s9, v8  }
0x152: {  	v15 =	vld.idx.msk [tilespmem:v15+s31+$0x0], $0xffff;
	v19 =	vor.u32 s12, v8  }
0x153: {  	v13 =	vld.idx.msk [tilespmem:v13+s31+$0x0], $0xffff;
	v20 =	vor.u32 s11, v8;
	v9 =	vmul.f32 v9, v7  }
0x154: {  	v21 =	vor.u32 s13, v8;
	v10 =	vmul.f32 v10, v7;
	v16 =	vld.idx.msk [tilespmem:v16+s31+$0x0], $0xffff  }
0x155: {  	v59 =	vor.u32 s19, v8;
	[tilespmem:v17+s0+$0x0] =	vst.idx.add.f32.msk vm0, v9;
	v11 =	vmul.f32 v11, v7  }
0x156: {  	v60 =	vor.u32 s2, v8;
	s7 =	sadd.s32 $0x1, s7;
	v12 =	vmul.f32 v12, v7;
	[tilespmem:v18+s0+$0x0] =	vst.idx.add.f32.msk vm0, v10  }
0x157: {  	v8 =	vor.u32 s14, v8;
	p0 =	sne.s32 s7, s6;
	v61 =	vmul.f32 v14, v7;
	[tilespmem:v19+s0+$0x0] =	vst.idx.add.f32.msk vm0, v11  }
.Ltmp8:
0x158: {  	v62 =	vmul.f32 v15, v7;
	[tilespmem:v20+s0+$0x0] =	vst.idx.add.f32.msk vm0, v12;
	(pc) =	sbr.rel @p0 .LBB2_10-.Ltmp8, $4  }
.Ltmp9:
0x159: {  	v63 =	vmul.f32 v13, v7;
	[tilespmem:v21+s0+$0x0] =	vst.idx.add.f32.msk vm0, v61;
	(pc) =	sbr.rel @!p0 .LBB2_13-.Ltmp9, $4  }
0x15a: {  	[tilespmem:v59+s0+$0x0] =	vst.idx.add.f32.msk vm0, v62;
	v7 =	vmul.f32 v16, v7  }
0x15b: {  	[tilespmem:v60+s0+$0x0] =	vst.idx.add.f32.msk vm0, v63  }
0x15c: {  	[tilespmem:v8+s0+$0x0] =	vst.idx.add.f32.msk vm0, v7  }
0x15d: {  	_ = 	snop  }
.LBB2_14:
0x15e: {  	_ =	sfence.sel $0x180000  }
0x15f: {  	[bflag:$0x0] =	sbarrier.arrive $0xFFFF  }
0x160: {  	_ =	strace $0x90000047  }
0x161: {  	s0 =	stileid.u32;
	[bflag:$0x2] =	sbarrier.arrive $0xFFFF  }
0x162: {  	p0 =	sne.s32 s0, $0x0;
	s0 =	rddreg [dreg:$0x2]  }
0x163: {  	s0 =	sadd.s32 @!p0 $0x100000, s0  }
0x164: {  	[sflag:s0] =	ssyncadd.tile.s32 @!p0 $0x1;
	_ =	shalt  }
.Lfunc_end2:
_tile_overlayer_lowered:
.L_overlay_start_2:
0x165: {  	(tag) =	ssettag $0x2  }
0x166: {  	s0 =	rddreg [dreg:$0x0];
	s2 =	stileid.u32  }
0x167: {  	s1 =	rddreg [dreg:$0x1];
	p0 =	sne.s32 s2, $0x0  }
0x168: {  	s3 =	rddreg [dreg:$0x2];
	[bflag:$0x3] =	sbarrier.arrive $0xFFFF;
	s2 =	simm.s32 @!p0 $0x1C02  }
0x169: {  	[timem:s3], [sflag:s2] =	dma.local @!p0 [hbm:s0], s1  }
0x16a: {  	s0 =	simm.s32 @!p0 $0x2  }
0x16b: {  	_ =	swait.ge @!p0 [sflag:s0], s1  }
0x16c: {  	s1 =	ssub.s32 @!p0 $0x0, s1;
	[sflag:s0] =	ssyncset.done @!p0 $0x0  }
0x16d: {  	[sflag:s0] =	ssyncadd.s32 @!p0 s1  }
0x16e: {  	[bflag:$0x3] =	sbarrier.arrive $0xFFFF  }
0x16f: {  	_ =	shalt  }

</sc_bundles>
